<compile_context>
chip_gen: v7x
topology: tpu7x:2x2x1
jax: 0.10.2.dev20260603
libtpu: 0.0.44.dev20260713+nightly
codegen_flags: <defaults>
</compile_context>

<pallas_src>
import functools

import jax
import jax.numpy as jnp
from jax import lax
from jax.experimental import pallas as pl
from jax.experimental.pallas import tpu as pltpu
from jax.experimental.pallas import tpu_sc as plsc

N = 10000
NP = 10240
E = 320000
EPB = 200
BPT = 50
NT = 32
EPT = BPT * EPB
SPT = NP // 16


def _sc_mesh():
    return plsc.VectorSubcoreMesh(core_axis_name="c", subcore_axis_name="s")


_SC_PARAMS = pltpu.CompilerParams(use_tc_tiling_on_sc=False)


@functools.partial(
    pl.kernel,
    out_type=jax.ShapeDtypeStruct((NT, SPT), jnp.float32),
    mesh=_sc_mesh(),
    compiler_params=_SC_PARAMS,
    scratch_types=[
        pltpu.VMEM((EPT,), jnp.int32),
        pltpu.VMEM((EPB,), jnp.float32),
        pltpu.VMEM_SHARED((NP,), jnp.float32),
        pltpu.SemaphoreType.DMA,
    ],
)
def _deg_kernel(ei_hbm, ones_hbm, zeros_hbm, out_hbm, idx_d, ones_v, acc, sem):
    c = lax.axis_index("c")
    s = lax.axis_index("s")
    wid = c * 16 + s
    rsl = pl.ds(s * SPT, SPT)
    pltpu.sync_copy(zeros_hbm.at[rsl], acc.at[rsl])
    pltpu.sync_copy(ones_hbm, ones_v)
    pltpu.sync_copy(ei_hbm.at[1, pl.ds(wid * EPT, EPT)], idx_d)
    plsc.subcore_barrier()

    def body(j, carry):
        pltpu.async_copy(
            ones_v, acc.at[idx_d.at[pl.ds(j * EPB, EPB)]], sem, add=True)
        return carry

    lax.fori_loop(0, BPT, body, 0)

    def drain(j, carry):
        pltpu.make_async_copy(ones_hbm, ones_v, sem).wait()
        return carry

    lax.fori_loop(0, BPT, drain, 0)
    plsc.subcore_barrier()
    pltpu.sync_copy(acc.at[rsl], out_hbm.at[wid])


def _make_agg(D):
    @functools.partial(
        pl.kernel,
        out_type=jax.ShapeDtypeStruct((NT, SPT, D), jnp.float32),
        mesh=_sc_mesh(),
        compiler_params=_SC_PARAMS,
        scratch_types=[
            pltpu.VMEM((EPT,), jnp.int32),
            pltpu.VMEM((EPT,), jnp.int32),
            [pltpu.VMEM((EPB, D), jnp.float32)] * 5,
            pltpu.VMEM_SHARED((NP, D), jnp.float32),
            [pltpu.SemaphoreType.DMA] * 5,
            pltpu.SemaphoreType.DMA,
        ],
    )
    def agg(ei_hbm, y_hbm, zeros_hbm, out_hbm,
            idx_s, idx_d, rows, acc, gsems, semi):
        c = lax.axis_index("c")
        s = lax.axis_index("s")
        wid = c * 16 + s
        rsl = pl.ds(s * SPT, SPT)
        pltpu.sync_copy(zeros_hbm.at[rsl], acc.at[rsl])
        h1 = pltpu.async_copy(ei_hbm.at[0, pl.ds(wid * EPT, EPT)], idx_s, semi)
        h2 = pltpu.async_copy(ei_hbm.at[1, pl.ds(wid * EPT, EPT)], idx_d, semi)
        h1.wait()
        h2.wait()
        plsc.subcore_barrier()

        def drain5():
            for b in range(5):
                pltpu.make_async_copy(
                    y_hbm.at[pl.ds(0, EPB)], rows[b], semi).wait()

        def body(i, carry):
            j0 = i * 5 * EPB

            @pl.when(i > 0)
            def _():
                drain5()

            gs = [pltpu.async_copy(
                      y_hbm.at[idx_s.at[pl.ds(j0 + b * EPB, EPB)]],
                      rows[b], gsems[b])
                  for b in range(5)]
            for b in range(5):
                gs[b].wait()
                pltpu.async_copy(
                    rows[b], acc.at[idx_d.at[pl.ds(j0 + b * EPB, EPB)]],
                    semi, add=True)
            return carry

        lax.fori_loop(0, BPT // 5, body, 0)
        drain5()
        plsc.subcore_barrier()
        pltpu.sync_copy(acc.at[rsl], out_hbm.at[wid])

    return agg


_agg64 = _make_agg(64)
_agg32 = _make_agg(32)


RB = 10000


def _dis(degp):
    dpt = jnp.transpose(degp)[:RB]
    return lax.rsqrt(dpt[:, 0:1] + dpt[:, 1:2] + 1.0)


def _mm_body(x_ref, w1_ref, xw_ref):
    xw_ref[...] = jnp.dot(
        x_ref[...], w1_ref[...], preferred_element_type=jnp.float32)


def _scale_body(degp_ref, xw_ref, y1_ref):
    y1_ref[...] = _dis(degp_ref[...]) * xw_ref[...]


def _mid_body(degp_ref, agg_ref, y1_ref, b1_ref, w2_ref, y2_ref):
    dis = _dis(degp_ref[...])
    a = agg_ref[0] + agg_ref[1] + y1_ref[...]
    h1 = jnp.maximum(dis * a + b1_ref[...], 0.0)
    y2_ref[...] = dis * jnp.dot(h1, w2_ref[...], preferred_element_type=jnp.float32)


def _post_body(degp_ref, agg_ref, y2_ref, b2_ref, wc_ref, bc_ref, out_ref):
    dis = _dis(degp_ref[...])
    a = agg_ref[0] + agg_ref[1] + y2_ref[...]
    h2 = jnp.maximum(dis * a + b2_ref[...], 0.0)
    out_ref[...] = (
        jnp.dot(h2, wc_ref[...], preferred_element_type=jnp.float32) + bc_ref[...])


def _row_spec(cols):
    return pl.BlockSpec((RB, cols), lambda i: (i, 0))


_deg_spec = pl.BlockSpec((2, NP), lambda i: (0, 0))


def _full_spec(shape):
    nd = len(shape)
    return pl.BlockSpec(shape, lambda i, _nd=nd: (0,) * _nd)


def _agg_spec(cols):
    return pl.BlockSpec((2, RB, cols), lambda i: (0, i, 0))


_GRID = N // RB

_mm = pl.pallas_call(
    _mm_body,
    grid=(_GRID,),
    in_specs=[_row_spec(128), _full_spec((128, 64))],
    out_specs=_row_spec(64),
    out_shape=jax.ShapeDtypeStruct((N, 64), jnp.float32),
)

_scale = pl.pallas_call(
    _scale_body,
    grid=(_GRID,),
    in_specs=[_deg_spec, _row_spec(64)],
    out_specs=_row_spec(64),
    out_shape=jax.ShapeDtypeStruct((N, 64), jnp.float32),
)

_mid = pl.pallas_call(
    _mid_body,
    grid=(_GRID,),
    in_specs=[_deg_spec, _agg_spec(64), _row_spec(64),
              _full_spec((1, 64)), _full_spec((64, 32))],
    out_specs=_row_spec(32),
    out_shape=jax.ShapeDtypeStruct((N, 32), jnp.float32),
)

_post = pl.pallas_call(
    _post_body,
    grid=(_GRID,),
    in_specs=[_deg_spec, _agg_spec(32), _row_spec(32),
              _full_spec((1, 32)), _full_spec((32, 10)), _full_spec((1, 10))],
    out_specs=_row_spec(10),
    out_shape=jax.ShapeDtypeStruct((N, 10), jnp.float32),
)


def kernel(x, edge_index, W1, b1, W2, b2, Wc, bc):
    ei = edge_index.astype(jnp.int32)

    ones = jnp.ones((EPB,), jnp.float32)
    zeros1 = jnp.zeros((NP,), jnp.float32)
    zeros64 = jnp.zeros((NP, 64), jnp.float32)
    zeros32 = jnp.zeros((NP, 32), jnp.float32)

    degp = _deg_kernel(ei, ones, zeros1).reshape(2, NP)
    xw1 = _mm(x, W1)
    y1 = _scale(degp, xw1)
    agg1 = _agg64(ei, y1, zeros64).reshape(2, NP, 64)
    y2 = _mid(degp, agg1, y1, b1.reshape(1, 64), W2)
    agg2 = _agg32(ei, y2, zeros32).reshape(2, NP, 32)
    return _post(degp, agg2, y2, b2.reshape(1, 32), Wc, bc.reshape(1, 10))

# --- scband reference (transcript-rebuilt; emitter-appended) ---
"""Pipeline reference for scband-syscall-gcn-14903536518045 (READ-ONLY COPY).

The authoritative reference and input builder live on the scoring server;
editing this copy changes nothing except your own understanding.
"""

import jax, jax.numpy as jnp
import numpy as np

N_NODES = 10000


def gcn_conv(x, edge_index, W, b):
    n = x.shape[0]
    loop = jnp.arange(n, dtype=edge_index.dtype)
    src = jnp.concatenate([edge_index[0], loop])
    dst = jnp.concatenate([edge_index[1], loop])
    # PyG GCNConv: linear transform first, then normalized aggregation
    xw = x @ W
    deg = jnp.zeros((n,), dtype=x.dtype).at[dst].add(1.0)
    deg_inv_sqrt = jnp.where(deg > 0, deg ** -0.5, 0.0)
    norm = deg_inv_sqrt[src] * deg_inv_sqrt[dst]
    msg = xw[src] * norm[:, None]
    out = jnp.zeros((n, W.shape[1]), dtype=x.dtype).at[dst].add(msg)
    return out + b


def setup_inputs(seed: int = 0) -> dict:
    key = jax.random.key(seed)
    ks = jax.random.split(key, 8)
    x = jax.random.normal(ks[0], (N_NODES, 128), dtype=jnp.float32)
    edge_index = jax.random.randint(ks[1], (2, 320000), 0, N_NODES, dtype=jnp.int64)
    W1 = jax.random.normal(ks[2], (128, 64), dtype=jnp.float32) * (1.0 / np.sqrt(128))
    b1 = jnp.zeros((64,), dtype=jnp.float32)
    W2 = jax.random.normal(ks[3], (64, 32), dtype=jnp.float32) * (1.0 / np.sqrt(64))
    b2 = jnp.zeros((32,), dtype=jnp.float32)
    Wc = jax.random.normal(ks[4], (32, 10), dtype=jnp.float32) * (1.0 / np.sqrt(32))
    bc = jnp.zeros((10,), dtype=jnp.float32)
    return {"x": x, "edge_index": edge_index, "W1": W1, "b1": b1, "W2": W2, "b2": b2, "Wc": Wc, "bc": bc}


def reference(x, edge_index, W1, b1, W2, b2, Wc, bc):
    h = gcn_conv(x, edge_index, W1, b1)
    h = jax.nn.relu(h)
    # dropout p=0.2 is identity in eval mode
    h = gcn_conv(h, edge_index, W2, b2)
    h = jax.nn.relu(h)
    return h @ Wc + bc

if __name__ == "__main__":
    import jax
    _d = setup_inputs()
    print(jax.jit(kernel)(*tuple(_d.values())))

</pallas_src>

<mosaic_0001>
#map = affine_map<(d0, d1) -> (0, 0)>
#map1 = affine_map<(d0, d1) -> (0, 0, 0)>
module attributes {stable_mosaic.version = 14 : i64} {
  func.func @agg(%arg0: i32, %arg1: i32, %arg2: memref<2x320000xi32, #tpu.memory_space<hbm>>, %arg3: memref<10000x64xf32, #tpu.memory_space<hbm>>, %arg4: memref<10240x64xf32, #tpu.memory_space<hbm>>, %arg5: memref<32x640x64xf32, #tpu.memory_space<hbm>>, %arg6: memref<10000xi32, #tpu.memory_space<vmem>>, %arg7: memref<10000xi32, #tpu.memory_space<vmem>>, %arg8: memref<200x64xf32, #tpu.memory_space<vmem>>, %arg9: memref<200x64xf32, #tpu.memory_space<vmem>>, %arg10: memref<200x64xf32, #tpu.memory_space<vmem>>, %arg11: memref<200x64xf32, #tpu.memory_space<vmem>>, %arg12: memref<200x64xf32, #tpu.memory_space<vmem>>, %arg13: memref<10240x64xf32, #tpu.memory_space<vmem_shared>>, %arg14: memref<!tpu.dma_semaphore, #tpu.memory_space<semaphore_mem>>, %arg15: memref<!tpu.dma_semaphore, #tpu.memory_space<semaphore_mem>>, %arg16: memref<!tpu.dma_semaphore, #tpu.memory_space<semaphore_mem>>, %arg17: memref<!tpu.dma_semaphore, #tpu.memory_space<semaphore_mem>>, %arg18: memref<!tpu.dma_semaphore, #tpu.memory_space<semaphore_mem>>, %arg19: memref<!tpu.dma_semaphore, #tpu.memory_space<semaphore_mem>>) attributes {dimension_semantics = [#tpu.dimension_semantics<core_parallel>, #tpu.dimension_semantics<subcore_parallel>], iteration_bounds = array<i64: 2, 16>, scalar_prefetch = 0 : i64, scratch_operands = 14 : i64, tpu.core_type = #tpu.core_type<sc_vector_subcore>, window_params = [{transform_indices = #map}, {transform_indices = #map}, {transform_indices = #map}, {transform_indices = #map1}]} {
    %mul3A = arith.constant 16 : i32
    %mul3A_0 = arith.muli %arg0, %mul3A : i32
    %add3A = arith.addi %mul3A_0, %arg1 : i32
    %mul3A_1 = arith.constant 640 : i32
    %mul3A_2 = arith.muli %arg1, %mul3A_1 : i32
    "tpu.region"() ({
      %run_scoped3A = tpu.sem_alloc : memref<!tpu.dma_semaphore, #tpu.memory_space<semaphore_mem>>
      %dma_start3A_61 = arith.constant 0 : i32
      %dma_start3A_62 = tpu.memref_slice %arg13[%mul3A_2, %dma_start3A_61] : memref<10240x64xf32, #tpu.memory_space<vmem_shared>> -> memref<640x64xf32, #tpu.memory_space<vmem_shared>>
      %dma_start3A_63 = arith.constant 0 : i32
      %dma_start3A_64 = tpu.memref_slice %arg4[%mul3A_2, %dma_start3A_63] : memref<10240x64xf32, #tpu.memory_space<hbm>> -> memref<640x64xf32, #tpu.memory_space<hbm>>
      tpu.enqueue_dma source(%dma_start3A_64 : memref<640x64xf32, #tpu.memory_space<hbm>>) target(%dma_start3A_62 : memref<640x64xf32, #tpu.memory_space<vmem_shared>>) target_semaphore(%run_scoped3A : memref<!tpu.dma_semaphore, #tpu.memory_space<semaphore_mem>>)
      %dma_wait3A_65 = arith.constant 0 : i32
      %dma_wait3A_66 = tpu.memref_slice %arg13[%mul3A_2, %dma_wait3A_65] : memref<10240x64xf32, #tpu.memory_space<vmem_shared>> -> memref<640x64xf32, #tpu.memory_space<vmem_shared>>
      %dma_wait3A_67 = arith.constant 0 : i32
      %dma_wait3A_68 = tpu.memref_slice %arg4[%mul3A_2, %dma_wait3A_67] : memref<10240x64xf32, #tpu.memory_space<hbm>> -> memref<640x64xf32, #tpu.memory_space<hbm>>
      tpu.wait_dma2 semaphore(%run_scoped3A : memref<!tpu.dma_semaphore, #tpu.memory_space<semaphore_mem>>) src(%dma_wait3A_68 : memref<640x64xf32, #tpu.memory_space<hbm>>) dst(%dma_wait3A_66 : memref<640x64xf32, #tpu.memory_space<vmem_shared>>)
      tpu.yield
    }) : () -> ()
    %mul3A_3 = arith.constant 10000 : i32
    %mul3A_4 = arith.muli %add3A, %mul3A_3 : i32
    %dma_start3A = arith.constant 0 : i32
    %dma_start3A_5 = tpu.memref_slice %arg2[%dma_start3A, %mul3A_4] : memref<2x320000xi32, #tpu.memory_space<hbm>> -> memref<1x10000xi32, #tpu.memory_space<hbm>>
    %dma_start3A_6 = tpu.memref_squeeze %dma_start3A_5 : memref<1x10000xi32, #tpu.memory_space<hbm>> -> memref<10000xi32, #tpu.memory_space<hbm>>
    %dma_start3A_7 = tpu.memref_slice %arg2[%dma_start3A, %mul3A_4] : memref<2x320000xi32, #tpu.memory_space<hbm>> -> memref<1x10000xi32, #tpu.memory_space<hbm>>
    %dma_start3A_8 = tpu.memref_squeeze %dma_start3A_7 : memref<1x10000xi32, #tpu.memory_space<hbm>> -> memref<10000xi32, #tpu.memory_space<hbm>>
    tpu.enqueue_dma source(%dma_start3A_8 : memref<10000xi32, #tpu.memory_space<hbm>>) target(%arg6 : memref<10000xi32, #tpu.memory_space<vmem>>) target_semaphore(%arg19 : memref<!tpu.dma_semaphore, #tpu.memory_space<semaphore_mem>>)
    %mul3A_9 = arith.constant 10000 : i32
    %mul3A_10 = arith.muli %add3A, %mul3A_9 : i32
    %dma_start3A_11 = arith.constant 1 : i32
    %dma_start3A_12 = tpu.memref_slice %arg2[%dma_start3A_11, %mul3A_10] : memref<2x320000xi32, #tpu.memory_space<hbm>> -> memref<1x10000xi32, #tpu.memory_space<hbm>>
    %dma_start3A_13 = tpu.memref_squeeze %dma_start3A_12 : memref<1x10000xi32, #tpu.memory_space<hbm>> -> memref<10000xi32, #tpu.memory_space<hbm>>
    %dma_start3A_14 = tpu.memref_slice %arg2[%dma_start3A_11, %mul3A_10] : memref<2x320000xi32, #tpu.memory_space<hbm>> -> memref<1x10000xi32, #tpu.memory_space<hbm>>
    %dma_start3A_15 = tpu.memref_squeeze %dma_start3A_14 : memref<1x10000xi32, #tpu.memory_space<hbm>> -> memref<10000xi32, #tpu.memory_space<hbm>>
    tpu.enqueue_dma source(%dma_start3A_15 : memref<10000xi32, #tpu.memory_space<hbm>>) target(%arg7 : memref<10000xi32, #tpu.memory_space<vmem>>) target_semaphore(%arg19 : memref<!tpu.dma_semaphore, #tpu.memory_space<semaphore_mem>>)
    %dma_wait3A = arith.constant 0 : i32
    %dma_wait3A_16 = tpu.memref_slice %arg2[%dma_wait3A, %mul3A_4] : memref<2x320000xi32, #tpu.memory_space<hbm>> -> memref<1x10000xi32, #tpu.memory_space<hbm>>
    %dma_wait3A_17 = tpu.memref_squeeze %dma_wait3A_16 : memref<1x10000xi32, #tpu.memory_space<hbm>> -> memref<10000xi32, #tpu.memory_space<hbm>>
    %dma_wait3A_18 = tpu.memref_slice %arg2[%dma_wait3A, %mul3A_4] : memref<2x320000xi32, #tpu.memory_space<hbm>> -> memref<1x10000xi32, #tpu.memory_space<hbm>>
    %dma_wait3A_19 = tpu.memref_squeeze %dma_wait3A_18 : memref<1x10000xi32, #tpu.memory_space<hbm>> -> memref<10000xi32, #tpu.memory_space<hbm>>
    tpu.wait_dma2 semaphore(%arg19 : memref<!tpu.dma_semaphore, #tpu.memory_space<semaphore_mem>>) src(%dma_wait3A_19 : memref<10000xi32, #tpu.memory_space<hbm>>) dst(%arg6 : memref<10000xi32, #tpu.memory_space<vmem>>)
    %dma_wait3A_20 = arith.constant 1 : i32
    %dma_wait3A_21 = tpu.memref_slice %arg2[%dma_wait3A_20, %mul3A_10] : memref<2x320000xi32, #tpu.memory_space<hbm>> -> memref<1x10000xi32, #tpu.memory_space<hbm>>
    %dma_wait3A_22 = tpu.memref_squeeze %dma_wait3A_21 : memref<1x10000xi32, #tpu.memory_space<hbm>> -> memref<10000xi32, #tpu.memory_space<hbm>>
    %dma_wait3A_23 = tpu.memref_slice %arg2[%dma_wait3A_20, %mul3A_10] : memref<2x320000xi32, #tpu.memory_space<hbm>> -> memref<1x10000xi32, #tpu.memory_space<hbm>>
    %dma_wait3A_24 = tpu.memref_squeeze %dma_wait3A_23 : memref<1x10000xi32, #tpu.memory_space<hbm>> -> memref<10000xi32, #tpu.memory_space<hbm>>
    tpu.wait_dma2 semaphore(%arg19 : memref<!tpu.dma_semaphore, #tpu.memory_space<semaphore_mem>>) src(%dma_wait3A_24 : memref<10000xi32, #tpu.memory_space<hbm>>) dst(%arg7 : memref<10000xi32, #tpu.memory_space<vmem>>)
    %barrier3A = arith.constant 0 : index
    tpu.barrier barrier_id(%barrier3A)
    %scan3A = arith.constant 0 : i32
    %scan3A_25 = arith.constant 0 : i32
    %scan3A_26 = arith.constant 10 : i32
    %scan3A_27 = arith.addi %scan3A_25, %scan3A_26 : i32
    %scan3A_28 = arith.constant 1 : i32
    scf.for %scan3A_61 = %scan3A_25 to %scan3A_27 step %scan3A_28  : i32 {
      %mul3A_62 = arith.constant 5 : i32
      %mul3A_63 = arith.muli %scan3A_61, %mul3A_62 : i32
      %mul3A_64 = arith.constant 200 : i32
      %mul3A_65 = arith.muli %mul3A_63, %mul3A_64 : i32
      %gt3A = arith.constant 0 : i32
      %gt3A_66 = arith.cmpi sgt, %scan3A_61, %gt3A : i32
      %convert_element_type3A = arith.extui %gt3A_66 : i1 to i32
      %cond3A = arith.constant 0 : i32
      %cond3A_67 = arith.cmpi ne, %convert_element_type3A, %cond3A : i32
      scf.if %cond3A_67 {
        %dma_wait3A_148 = arith.constant 0 : i32
        %dma_wait3A_149 = arith.constant 0 : i32
        %dma_wait3A_150 = tpu.memref_slice %arg3[%dma_wait3A_148, %dma_wait3A_149] : memref<10000x64xf32, #tpu.memory_space<hbm>> -> memref<200x64xf32, #tpu.memory_space<hbm>>
        %dma_wait3A_151 = arith.constant 0 : i32
        %dma_wait3A_152 = arith.constant 0 : i32
        %dma_wait3A_153 = tpu.memref_slice %arg3[%dma_wait3A_151, %dma_wait3A_152] : memref<10000x64xf32, #tpu.memory_space<hbm>> -> memref<200x64xf32, #tpu.memory_space<hbm>>
        tpu.wait_dma2 semaphore(%arg19 : memref<!tpu.dma_semaphore, #tpu.memory_space<semaphore_mem>>) src(%dma_wait3A_153 : memref<200x64xf32, #tpu.memory_space<hbm>>) dst(%arg8 : memref<200x64xf32, #tpu.memory_space<vmem>>)
        %dma_wait3A_154 = arith.constant 0 : i32
        %dma_wait3A_155 = arith.constant 0 : i32
        %dma_wait3A_156 = tpu.memref_slice %arg3[%dma_wait3A_154, %dma_wait3A_155] : memref<10000x64xf32, #tpu.memory_space<hbm>> -> memref<200x64xf32, #tpu.memory_space<hbm>>
        %dma_wait3A_157 = arith.constant 0 : i32
        %dma_wait3A_158 = arith.constant 0 : i32
        %dma_wait3A_159 = tpu.memref_slice %arg3[%dma_wait3A_157, %dma_wait3A_158] : memref<10000x64xf32, #tpu.memory_space<hbm>> -> memref<200x64xf32, #tpu.memory_space<hbm>>
        tpu.wait_dma2 semaphore(%arg19 : memref<!tpu.dma_semaphore, #tpu.memory_space<semaphore_mem>>) src(%dma_wait3A_159 : memref<200x64xf32, #tpu.memory_space<hbm>>) dst(%arg9 : memref<200x64xf32, #tpu.memory_space<vmem>>)
        %dma_wait3A_160 = arith.constant 0 : i32
        %dma_wait3A_161 = arith.constant 0 : i32
        %dma_wait3A_162 = tpu.memref_slice %arg3[%dma_wait3A_160, %dma_wait3A_161] : memref<10000x64xf32, #tpu.memory_space<hbm>> -> memref<200x64xf32, #tpu.memory_space<hbm>>
        %dma_wait3A_163 = arith.constant 0 : i32
        %dma_wait3A_164 = arith.constant 0 : i32
        %dma_wait3A_165 = tpu.memref_slice %arg3[%dma_wait3A_163, %dma_wait3A_164] : memref<10000x64xf32, #tpu.memory_space<hbm>> -> memref<200x64xf32, #tpu.memory_space<hbm>>
        tpu.wait_dma2 semaphore(%arg19 : memref<!tpu.dma_semaphore, #tpu.memory_space<semaphore_mem>>) src(%dma_wait3A_165 : memref<200x64xf32, #tpu.memory_space<hbm>>) dst(%arg10 : memref<200x64xf32, #tpu.memory_space<vmem>>)
        %dma_wait3A_166 = arith.constant 0 : i32
        %dma_wait3A_167 = arith.constant 0 : i32
        %dma_wait3A_168 = tpu.memref_slice %arg3[%dma_wait3A_166, %dma_wait3A_167] : memref<10000x64xf32, #tpu.memory_space<hbm>> -> memref<200x64xf32, #tpu.memory_space<hbm>>
        %dma_wait3A_169 = arith.constant 0 : i32
        %dma_wait3A_170 = arith.constant 0 : i32
        %dma_wait3A_171 = tpu.memref_slice %arg3[%dma_wait3A_169, %dma_wait3A_170] : memref<10000x64xf32, #tpu.memory_space<hbm>> -> memref<200x64xf32, #tpu.memory_space<hbm>>
        tpu.wait_dma2 semaphore(%arg19 : memref<!tpu.dma_semaphore, #tpu.memory_space<semaphore_mem>>) src(%dma_wait3A_171 : memref<200x64xf32, #tpu.memory_space<hbm>>) dst(%arg11 : memref<200x64xf32, #tpu.memory_space<vmem>>)
        %dma_wait3A_172 = arith.constant 0 : i32
        %dma_wait3A_173 = arith.constant 0 : i32
        %dma_wait3A_174 = tpu.memref_slice %arg3[%dma_wait3A_172, %dma_wait3A_173] : memref<10000x64xf32, #tpu.memory_space<hbm>> -> memref<200x64xf32, #tpu.memory_space<hbm>>
        %dma_wait3A_175 = arith.constant 0 : i32
        %dma_wait3A_176 = arith.constant 0 : i32
        %dma_wait3A_177 = tpu.memref_slice %arg3[%dma_wait3A_175, %dma_wait3A_176] : memref<10000x64xf32, #tpu.memory_space<hbm>> -> memref<200x64xf32, #tpu.memory_space<hbm>>
        tpu.wait_dma2 semaphore(%arg19 : memref<!tpu.dma_semaphore, #tpu.memory_space<semaphore_mem>>) src(%dma_wait3A_177 : memref<200x64xf32, #tpu.memory_space<hbm>>) dst(%arg12 : memref<200x64xf32, #tpu.memory_space<vmem>>)
      } else {
      }
      %add3A_68 = arith.constant 0 : i32
      %add3A_69 = arith.addi %mul3A_65, %add3A_68 : i32
      %dma_start3A_70 = tpu.memref_slice %arg6[%add3A_69] : memref<10000xi32, #tpu.memory_space<vmem>> -> memref<200xi32, #tpu.memory_space<vmem>>
      %dma_start3A_71 = arith.constant 0 : i32
      %dma_start3A_72 = arith.constant 0 : i32
      %dma_start3A_73 = tpu.memref_slice %arg3[%dma_start3A_71, %dma_start3A_72] : memref<10000x64xf32, #tpu.memory_space<hbm>> -> memref<10000x64xf32, #tpu.memory_space<hbm>>
      tpu.enqueue_indirect_dma source(%dma_start3A_73 : memref<10000x64xf32, #tpu.memory_space<hbm>>) target(%arg8 : memref<200x64xf32, #tpu.memory_space<vmem>>) offsets(%dma_start3A_70 : memref<200xi32, #tpu.memory_space<vmem>>) semaphore(%arg14 : memref<!tpu.dma_semaphore, #tpu.memory_space<semaphore_mem>>)
      %add3A_74 = arith.constant 200 : i32
      %add3A_75 = arith.addi %mul3A_65, %add3A_74 : i32
      %dma_start3A_76 = tpu.memref_slice %arg6[%add3A_75] : memref<10000xi32, #tpu.memory_space<vmem>> -> memref<200xi32, #tpu.memory_space<vmem>>
      %dma_start3A_77 = arith.constant 0 : i32
      %dma_start3A_78 = arith.constant 0 : i32
      %dma_start3A_79 = tpu.memref_slice %arg3[%dma_start3A_77, %dma_start3A_78] : memref<10000x64xf32, #tpu.memory_space<hbm>> -> memref<10000x64xf32, #tpu.memory_space<hbm>>
      tpu.enqueue_indirect_dma source(%dma_start3A_79 : memref<10000x64xf32, #tpu.memory_space<hbm>>) target(%arg9 : memref<200x64xf32, #tpu.memory_space<vmem>>) offsets(%dma_start3A_76 : memref<200xi32, #tpu.memory_space<vmem>>) semaphore(%arg15 : memref<!tpu.dma_semaphore, #tpu.memory_space<semaphore_mem>>)
      %add3A_80 = arith.constant 400 : i32
      %add3A_81 = arith.addi %mul3A_65, %add3A_80 : i32
      %dma_start3A_82 = tpu.memref_slice %arg6[%add3A_81] : memref<10000xi32, #tpu.memory_space<vmem>> -> memref<200xi32, #tpu.memory_space<vmem>>
      %dma_start3A_83 = arith.constant 0 : i32
      %dma_start3A_84 = arith.constant 0 : i32
      %dma_start3A_85 = tpu.memref_slice %arg3[%dma_start3A_83, %dma_start3A_84] : memref<10000x64xf32, #tpu.memory_space<hbm>> -> memref<10000x64xf32, #tpu.memory_space<hbm>>
      tpu.enqueue_indirect_dma source(%dma_start3A_85 : memref<10000x64xf32, #tpu.memory_space<hbm>>) target(%arg10 : memref<200x64xf32, #tpu.memory_space<vmem>>) offsets(%dma_start3A_82 : memref<200xi32, #tpu.memory_space<vmem>>) semaphore(%arg16 : memref<!tpu.dma_semaphore, #tpu.memory_space<semaphore_mem>>)
      %add3A_86 = arith.constant 600 : i32
      %add3A_87 = arith.addi %mul3A_65, %add3A_86 : i32
      %dma_start3A_88 = tpu.memref_slice %arg6[%add3A_87] : memref<10000xi32, #tpu.memory_space<vmem>> -> memref<200xi32, #tpu.memory_space<vmem>>
      %dma_start3A_89 = arith.constant 0 : i32
      %dma_start3A_90 = arith.constant 0 : i32
      %dma_start3A_91 = tpu.memref_slice %arg3[%dma_start3A_89, %dma_start3A_90] : memref<10000x64xf32, #tpu.memory_space<hbm>> -> memref<10000x64xf32, #tpu.memory_space<hbm>>
      tpu.enqueue_indirect_dma source(%dma_start3A_91 : memref<10000x64xf32, #tpu.memory_space<hbm>>) target(%arg11 : memref<200x64xf32, #tpu.memory_space<vmem>>) offsets(%dma_start3A_88 : memref<200xi32, #tpu.memory_space<vmem>>) semaphore(%arg17 : memref<!tpu.dma_semaphore, #tpu.memory_space<semaphore_mem>>)
      %add3A_92 = arith.constant 800 : i32
      %add3A_93 = arith.addi %mul3A_65, %add3A_92 : i32
      %dma_start3A_94 = tpu.memref_slice %arg6[%add3A_93] : memref<10000xi32, #tpu.memory_space<vmem>> -> memref<200xi32, #tpu.memory_space<vmem>>
      %dma_start3A_95 = arith.constant 0 : i32
      %dma_start3A_96 = arith.constant 0 : i32
      %dma_start3A_97 = tpu.memref_slice %arg3[%dma_start3A_95, %dma_start3A_96] : memref<10000x64xf32, #tpu.memory_space<hbm>> -> memref<10000x64xf32, #tpu.memory_space<hbm>>
      tpu.enqueue_indirect_dma source(%dma_start3A_97 : memref<10000x64xf32, #tpu.memory_space<hbm>>) target(%arg12 : memref<200x64xf32, #tpu.memory_space<vmem>>) offsets(%dma_start3A_94 : memref<200xi32, #tpu.memory_space<vmem>>) semaphore(%arg18 : memref<!tpu.dma_semaphore, #tpu.memory_space<semaphore_mem>>)
      %dma_wait3A_98 = tpu.memref_slice %arg6[%add3A_69] : memref<10000xi32, #tpu.memory_space<vmem>> -> memref<200xi32, #tpu.memory_space<vmem>>
      %dma_wait3A_99 = arith.constant 0 : i32
      %dma_wait3A_100 = arith.constant 0 : i32
      %dma_wait3A_101 = tpu.memref_slice %arg3[%dma_wait3A_99, %dma_wait3A_100] : memref<10000x64xf32, #tpu.memory_space<hbm>> -> memref<10000x64xf32, #tpu.memory_space<hbm>>
      tpu.wait_indirect_dma semaphore(%arg14 : memref<!tpu.dma_semaphore, #tpu.memory_space<semaphore_mem>>) src(%dma_wait3A_101 : memref<10000x64xf32, #tpu.memory_space<hbm>>) dst(%arg8 : memref<200x64xf32, #tpu.memory_space<vmem>>)
      %add3A_102 = arith.constant 0 : i32
      %add3A_103 = arith.addi %mul3A_65, %add3A_102 : i32
      %dma_start3A_104 = tpu.memref_slice %arg7[%add3A_103] : memref<10000xi32, #tpu.memory_space<vmem>> -> memref<200xi32, #tpu.memory_space<vmem>>
      %dma_start3A_105 = arith.constant 0 : i32
      %dma_start3A_106 = arith.constant 0 : i32
      %dma_start3A_107 = tpu.memref_slice %arg13[%dma_start3A_105, %dma_start3A_106] : memref<10240x64xf32, #tpu.memory_space<vmem_shared>> -> memref<10240x64xf32, #tpu.memory_space<vmem_shared>>
      tpu.enqueue_indirect_dma source(%arg8 : memref<200x64xf32, #tpu.memory_space<vmem>>) target(%dma_start3A_107 : memref<10240x64xf32, #tpu.memory_space<vmem_shared>>) offsets(%dma_start3A_104 : memref<200xi32, #tpu.memory_space<vmem>>) semaphore(%arg19 : memref<!tpu.dma_semaphore, #tpu.memory_space<semaphore_mem>>) {add = true}
      %dma_wait3A_108 = tpu.memref_slice %arg6[%add3A_75] : memref<10000xi32, #tpu.memory_space<vmem>> -> memref<200xi32, #tpu.memory_space<vmem>>
      %dma_wait3A_109 = arith.constant 0 : i32
      %dma_wait3A_110 = arith.constant 0 : i32
      %dma_wait3A_111 = tpu.memref_slice %arg3[%dma_wait3A_109, %dma_wait3A_110] : memref<10000x64xf32, #tpu.memory_space<hbm>> -> memref<10000x64xf32, #tpu.memory_space<hbm>>
      tpu.wait_indirect_dma semaphore(%arg15 : memref<!tpu.dma_semaphore, #tpu.memory_space<semaphore_mem>>) src(%dma_wait3A_111 : memref<10000x64xf32, #tpu.memory_space<hbm>>) dst(%arg9 : memref<200x64xf32, #tpu.memory_space<vmem>>)
      %add3A_112 = arith.constant 200 : i32
      %add3A_113 = arith.addi %mul3A_65, %add3A_112 : i32
      %dma_start3A_114 = tpu.memref_slice %arg7[%add3A_113] : memref<10000xi32, #tpu.memory_space<vmem>> -> memref<200xi32, #tpu.memory_space<vmem>>
      %dma_start3A_115 = arith.constant 0 : i32
      %dma_start3A_116 = arith.constant 0 : i32
      %dma_start3A_117 = tpu.memref_slice %arg13[%dma_start3A_115, %dma_start3A_116] : memref<10240x64xf32, #tpu.memory_space<vmem_shared>> -> memref<10240x64xf32, #tpu.memory_space<vmem_shared>>
      tpu.enqueue_indirect_dma source(%arg9 : memref<200x64xf32, #tpu.memory_space<vmem>>) target(%dma_start3A_117 : memref<10240x64xf32, #tpu.memory_space<vmem_shared>>) offsets(%dma_start3A_114 : memref<200xi32, #tpu.memory_space<vmem>>) semaphore(%arg19 : memref<!tpu.dma_semaphore, #tpu.memory_space<semaphore_mem>>) {add = true}
      %dma_wait3A_118 = tpu.memref_slice %arg6[%add3A_81] : memref<10000xi32, #tpu.memory_space<vmem>> -> memref<200xi32, #tpu.memory_space<vmem>>
      %dma_wait3A_119 = arith.constant 0 : i32
      %dma_wait3A_120 = arith.constant 0 : i32
      %dma_wait3A_121 = tpu.memref_slice %arg3[%dma_wait3A_119, %dma_wait3A_120] : memref<10000x64xf32, #tpu.memory_space<hbm>> -> memref<10000x64xf32, #tpu.memory_space<hbm>>
      tpu.wait_indirect_dma semaphore(%arg16 : memref<!tpu.dma_semaphore, #tpu.memory_space<semaphore_mem>>) src(%dma_wait3A_121 : memref<10000x64xf32, #tpu.memory_space<hbm>>) dst(%arg10 : memref<200x64xf32, #tpu.memory_space<vmem>>)
      %add3A_122 = arith.constant 400 : i32
      %add3A_123 = arith.addi %mul3A_65, %add3A_122 : i32
      %dma_start3A_124 = tpu.memref_slice %arg7[%add3A_123] : memref<10000xi32, #tpu.memory_space<vmem>> -> memref<200xi32, #tpu.memory_space<vmem>>
      %dma_start3A_125 = arith.constant 0 : i32
      %dma_start3A_126 = arith.constant 0 : i32
      %dma_start3A_127 = tpu.memref_slice %arg13[%dma_start3A_125, %dma_start3A_126] : memref<10240x64xf32, #tpu.memory_space<vmem_shared>> -> memref<10240x64xf32, #tpu.memory_space<vmem_shared>>
      tpu.enqueue_indirect_dma source(%arg10 : memref<200x64xf32, #tpu.memory_space<vmem>>) target(%dma_start3A_127 : memref<10240x64xf32, #tpu.memory_space<vmem_shared>>) offsets(%dma_start3A_124 : memref<200xi32, #tpu.memory_space<vmem>>) semaphore(%arg19 : memref<!tpu.dma_semaphore, #tpu.memory_space<semaphore_mem>>) {add = true}
      %dma_wait3A_128 = tpu.memref_slice %arg6[%add3A_87] : memref<10000xi32, #tpu.memory_space<vmem>> -> memref<200xi32, #tpu.memory_space<vmem>>
      %dma_wait3A_129 = arith.constant 0 : i32
      %dma_wait3A_130 = arith.constant 0 : i32
      %dma_wait3A_131 = tpu.memref_slice %arg3[%dma_wait3A_129, %dma_wait3A_130] : memref<10000x64xf32, #tpu.memory_space<hbm>> -> memref<10000x64xf32, #tpu.memory_space<hbm>>
      tpu.wait_indirect_dma semaphore(%arg17 : memref<!tpu.dma_semaphore, #tpu.memory_space<semaphore_mem>>) src(%dma_wait3A_131 : memref<10000x64xf32, #tpu.memory_space<hbm>>) dst(%arg11 : memref<200x64xf32, #tpu.memory_space<vmem>>)
      %add3A_132 = arith.constant 600 : i32
      %add3A_133 = arith.addi %mul3A_65, %add3A_132 : i32
      %dma_start3A_134 = tpu.memref_slice %arg7[%add3A_133] : memref<10000xi32, #tpu.memory_space<vmem>> -> memref<200xi32, #tpu.memory_space<vmem>>
      %dma_start3A_135 = arith.constant 0 : i32
      %dma_start3A_136 = arith.constant 0 : i32
      %dma_start3A_137 = tpu.memref_slice %arg13[%dma_start3A_135, %dma_start3A_136] : memref<10240x64xf32, #tpu.memory_space<vmem_shared>> -> memref<10240x64xf32, #tpu.memory_space<vmem_shared>>
      tpu.enqueue_indirect_dma source(%arg11 : memref<200x64xf32, #tpu.memory_space<vmem>>) target(%dma_start3A_137 : memref<10240x64xf32, #tpu.memory_space<vmem_shared>>) offsets(%dma_start3A_134 : memref<200xi32, #tpu.memory_space<vmem>>) semaphore(%arg19 : memref<!tpu.dma_semaphore, #tpu.memory_space<semaphore_mem>>) {add = true}
      %dma_wait3A_138 = tpu.memref_slice %arg6[%add3A_93] : memref<10000xi32, #tpu.memory_space<vmem>> -> memref<200xi32, #tpu.memory_space<vmem>>
      %dma_wait3A_139 = arith.constant 0 : i32
      %dma_wait3A_140 = arith.constant 0 : i32
      %dma_wait3A_141 = tpu.memref_slice %arg3[%dma_wait3A_139, %dma_wait3A_140] : memref<10000x64xf32, #tpu.memory_space<hbm>> -> memref<10000x64xf32, #tpu.memory_space<hbm>>
      tpu.wait_indirect_dma semaphore(%arg18 : memref<!tpu.dma_semaphore, #tpu.memory_space<semaphore_mem>>) src(%dma_wait3A_141 : memref<10000x64xf32, #tpu.memory_space<hbm>>) dst(%arg12 : memref<200x64xf32, #tpu.memory_space<vmem>>)
      %add3A_142 = arith.constant 800 : i32
      %add3A_143 = arith.addi %mul3A_65, %add3A_142 : i32
      %dma_start3A_144 = tpu.memref_slice %arg7[%add3A_143] : memref<10000xi32, #tpu.memory_space<vmem>> -> memref<200xi32, #tpu.memory_space<vmem>>
      %dma_start3A_145 = arith.constant 0 : i32
      %dma_start3A_146 = arith.constant 0 : i32
      %dma_start3A_147 = tpu.memref_slice %arg13[%dma_start3A_145, %dma_start3A_146] : memref<10240x64xf32, #tpu.memory_space<vmem_shared>> -> memref<10240x64xf32, #tpu.memory_space<vmem_shared>>
      tpu.enqueue_indirect_dma source(%arg12 : memref<200x64xf32, #tpu.memory_space<vmem>>) target(%dma_start3A_147 : memref<10240x64xf32, #tpu.memory_space<vmem_shared>>) offsets(%dma_start3A_144 : memref<200xi32, #tpu.memory_space<vmem>>) semaphore(%arg19 : memref<!tpu.dma_semaphore, #tpu.memory_space<semaphore_mem>>) {add = true}
    }
    %scan3A_29 = arith.constant 10 : i32
    %dma_wait3A_30 = arith.constant 0 : i32
    %dma_wait3A_31 = arith.constant 0 : i32
    %dma_wait3A_32 = tpu.memref_slice %arg3[%dma_wait3A_30, %dma_wait3A_31] : memref<10000x64xf32, #tpu.memory_space<hbm>> -> memref<200x64xf32, #tpu.memory_space<hbm>>
    %dma_wait3A_33 = arith.constant 0 : i32
    %dma_wait3A_34 = arith.constant 0 : i32
    %dma_wait3A_35 = tpu.memref_slice %arg3[%dma_wait3A_33, %dma_wait3A_34] : memref<10000x64xf32, #tpu.memory_space<hbm>> -> memref<200x64xf32, #tpu.memory_space<hbm>>
    tpu.wait_dma2 semaphore(%arg19 : memref<!tpu.dma_semaphore, #tpu.memory_space<semaphore_mem>>) src(%dma_wait3A_35 : memref<200x64xf32, #tpu.memory_space<hbm>>) dst(%arg8 : memref<200x64xf32, #tpu.memory_space<vmem>>)
    %dma_wait3A_36 = arith.constant 0 : i32
    %dma_wait3A_37 = arith.constant 0 : i32
    %dma_wait3A_38 = tpu.memref_slice %arg3[%dma_wait3A_36, %dma_wait3A_37] : memref<10000x64xf32, #tpu.memory_space<hbm>> -> memref<200x64xf32, #tpu.memory_space<hbm>>
    %dma_wait3A_39 = arith.constant 0 : i32
    %dma_wait3A_40 = arith.constant 0 : i32
    %dma_wait3A_41 = tpu.memref_slice %arg3[%dma_wait3A_39, %dma_wait3A_40] : memref<10000x64xf32, #tpu.memory_space<hbm>> -> memref<200x64xf32, #tpu.memory_space<hbm>>
    tpu.wait_dma2 semaphore(%arg19 : memref<!tpu.dma_semaphore, #tpu.memory_space<semaphore_mem>>) src(%dma_wait3A_41 : memref<200x64xf32, #tpu.memory_space<hbm>>) dst(%arg9 : memref<200x64xf32, #tpu.memory_space<vmem>>)
    %dma_wait3A_42 = arith.constant 0 : i32
    %dma_wait3A_43 = arith.constant 0 : i32
    %dma_wait3A_44 = tpu.memref_slice %arg3[%dma_wait3A_42, %dma_wait3A_43] : memref<10000x64xf32, #tpu.memory_space<hbm>> -> memref<200x64xf32, #tpu.memory_space<hbm>>
    %dma_wait3A_45 = arith.constant 0 : i32
    %dma_wait3A_46 = arith.constant 0 : i32
    %dma_wait3A_47 = tpu.memref_slice %arg3[%dma_wait3A_45, %dma_wait3A_46] : memref<10000x64xf32, #tpu.memory_space<hbm>> -> memref<200x64xf32, #tpu.memory_space<hbm>>
    tpu.wait_dma2 semaphore(%arg19 : memref<!tpu.dma_semaphore, #tpu.memory_space<semaphore_mem>>) src(%dma_wait3A_47 : memref<200x64xf32, #tpu.memory_space<hbm>>) dst(%arg10 : memref<200x64xf32, #tpu.memory_space<vmem>>)
    %dma_wait3A_48 = arith.constant 0 : i32
    %dma_wait3A_49 = arith.constant 0 : i32
    %dma_wait3A_50 = tpu.memref_slice %arg3[%dma_wait3A_48, %dma_wait3A_49] : memref<10000x64xf32, #tpu.memory_space<hbm>> -> memref<200x64xf32, #tpu.memory_space<hbm>>
    %dma_wait3A_51 = arith.constant 0 : i32
    %dma_wait3A_52 = arith.constant 0 : i32
    %dma_wait3A_53 = tpu.memref_slice %arg3[%dma_wait3A_51, %dma_wait3A_52] : memref<10000x64xf32, #tpu.memory_space<hbm>> -> memref<200x64xf32, #tpu.memory_space<hbm>>
    tpu.wait_dma2 semaphore(%arg19 : memref<!tpu.dma_semaphore, #tpu.memory_space<semaphore_mem>>) src(%dma_wait3A_53 : memref<200x64xf32, #tpu.memory_space<hbm>>) dst(%arg11 : memref<200x64xf32, #tpu.memory_space<vmem>>)
    %dma_wait3A_54 = arith.constant 0 : i32
    %dma_wait3A_55 = arith.constant 0 : i32
    %dma_wait3A_56 = tpu.memref_slice %arg3[%dma_wait3A_54, %dma_wait3A_55] : memref<10000x64xf32, #tpu.memory_space<hbm>> -> memref<200x64xf32, #tpu.memory_space<hbm>>
    %dma_wait3A_57 = arith.constant 0 : i32
    %dma_wait3A_58 = arith.constant 0 : i32
    %dma_wait3A_59 = tpu.memref_slice %arg3[%dma_wait3A_57, %dma_wait3A_58] : memref<10000x64xf32, #tpu.memory_space<hbm>> -> memref<200x64xf32, #tpu.memory_space<hbm>>
    tpu.wait_dma2 semaphore(%arg19 : memref<!tpu.dma_semaphore, #tpu.memory_space<semaphore_mem>>) src(%dma_wait3A_59 : memref<200x64xf32, #tpu.memory_space<hbm>>) dst(%arg12 : memref<200x64xf32, #tpu.memory_space<vmem>>)
    %barrier3A_60 = arith.constant 0 : index
    tpu.barrier barrier_id(%barrier3A_60)
    "tpu.region"() ({
      %run_scoped3A = tpu.sem_alloc : memref<!tpu.dma_semaphore, #tpu.memory_space<semaphore_mem>>
      %dma_start3A_61 = arith.constant 0 : i32
      %dma_start3A_62 = arith.constant 0 : i32
      %dma_start3A_63 = tpu.memref_slice %arg5[%add3A, %dma_start3A_61, %dma_start3A_62] : memref<32x640x64xf32, #tpu.memory_space<hbm>> -> memref<1x640x64xf32, #tpu.memory_space<hbm>>
      %dma_start3A_64 = tpu.memref_squeeze %dma_start3A_63 : memref<1x640x64xf32, #tpu.memory_space<hbm>> -> memref<640x64xf32, #tpu.memory_space<hbm>>
      %dma_start3A_65 = arith.constant 0 : i32
      %dma_start3A_66 = tpu.memref_slice %arg13[%mul3A_2, %dma_start3A_65] : memref<10240x64xf32, #tpu.memory_space<vmem_shared>> -> memref<640x64xf32, #tpu.memory_space<vmem_shared>>
      tpu.enqueue_dma source(%dma_start3A_66 : memref<640x64xf32, #tpu.memory_space<vmem_shared>>) target(%dma_start3A_64 : memref<640x64xf32, #tpu.memory_space<hbm>>) target_semaphore(%run_scoped3A : memref<!tpu.dma_semaphore, #tpu.memory_space<semaphore_mem>>)
      %dma_wait3A_67 = arith.constant 0 : i32
      %dma_wait3A_68 = arith.constant 0 : i32
      %dma_wait3A_69 = tpu.memref_slice %arg5[%add3A, %dma_wait3A_67, %dma_wait3A_68] : memref<32x640x64xf32, #tpu.memory_space<hbm>> -> memref<1x640x64xf32, #tpu.memory_space<hbm>>
      %dma_wait3A_70 = tpu.memref_squeeze %dma_wait3A_69 : memref<1x640x64xf32, #tpu.memory_space<hbm>> -> memref<640x64xf32, #tpu.memory_space<hbm>>
      %dma_wait3A_71 = arith.constant 0 : i32
      %dma_wait3A_72 = tpu.memref_slice %arg13[%mul3A_2, %dma_wait3A_71] : memref<10240x64xf32, #tpu.memory_space<vmem_shared>> -> memref<640x64xf32, #tpu.memory_space<vmem_shared>>
      tpu.wait_dma2 semaphore(%run_scoped3A : memref<!tpu.dma_semaphore, #tpu.memory_space<semaphore_mem>>) src(%dma_wait3A_72 : memref<640x64xf32, #tpu.memory_space<vmem_shared>>) dst(%dma_wait3A_70 : memref<640x64xf32, #tpu.memory_space<hbm>>)
      tpu.yield
    }) : () -> ()
    return
  }
}

#map = affine_map<(d0, d1) -> (0, 0)>
#map1 = affine_map<(d0, d1) -> (0)>
module attributes {stable_mosaic.version = 14 : i64} {
  func.func @_deg_kernel(%arg0: i32, %arg1: i32, %arg2: memref<2x320000xi32, #tpu.memory_space<hbm>>, %arg3: memref<200xf32, #tpu.memory_space<hbm>>, %arg4: memref<10240xf32, #tpu.memory_space<hbm>>, %arg5: memref<32x640xf32, #tpu.memory_space<hbm>>, %arg6: memref<10000xi32, #tpu.memory_space<vmem>>, %arg7: memref<200xf32, #tpu.memory_space<vmem>>, %arg8: memref<10240xf32, #tpu.memory_space<vmem_shared>>, %arg9: memref<!tpu.dma_semaphore, #tpu.memory_space<semaphore_mem>>) attributes {dimension_semantics = [#tpu.dimension_semantics<core_parallel>, #tpu.dimension_semantics<subcore_parallel>], iteration_bounds = array<i64: 2, 16>, scalar_prefetch = 0 : i64, scratch_operands = 4 : i64, tpu.core_type = #tpu.core_type<sc_vector_subcore>, window_params = [{transform_indices = #map}, {transform_indices = #map1}, {transform_indices = #map1}, {transform_indices = #map}]} {
    %mul3A = arith.constant 16 : i32
    %mul3A_0 = arith.muli %arg0, %mul3A : i32
    %add3A = arith.addi %mul3A_0, %arg1 : i32
    %mul3A_1 = arith.constant 640 : i32
    %mul3A_2 = arith.muli %arg1, %mul3A_1 : i32
    "tpu.region"() ({
      %run_scoped3A_17 = tpu.sem_alloc : memref<!tpu.dma_semaphore, #tpu.memory_space<semaphore_mem>>
      %dma_start3A = tpu.memref_slice %arg8[%mul3A_2] : memref<10240xf32, #tpu.memory_space<vmem_shared>> -> memref<640xf32, #tpu.memory_space<vmem_shared>>
      %dma_start3A_18 = tpu.memref_slice %arg4[%mul3A_2] : memref<10240xf32, #tpu.memory_space<hbm>> -> memref<640xf32, #tpu.memory_space<hbm>>
      tpu.enqueue_dma source(%dma_start3A_18 : memref<640xf32, #tpu.memory_space<hbm>>) target(%dma_start3A : memref<640xf32, #tpu.memory_space<vmem_shared>>) target_semaphore(%run_scoped3A_17 : memref<!tpu.dma_semaphore, #tpu.memory_space<semaphore_mem>>)
      %dma_wait3A = tpu.memref_slice %arg8[%mul3A_2] : memref<10240xf32, #tpu.memory_space<vmem_shared>> -> memref<640xf32, #tpu.memory_space<vmem_shared>>
      %dma_wait3A_19 = tpu.memref_slice %arg4[%mul3A_2] : memref<10240xf32, #tpu.memory_space<hbm>> -> memref<640xf32, #tpu.memory_space<hbm>>
      tpu.wait_dma2 semaphore(%run_scoped3A_17 : memref<!tpu.dma_semaphore, #tpu.memory_space<semaphore_mem>>) src(%dma_wait3A_19 : memref<640xf32, #tpu.memory_space<hbm>>) dst(%dma_wait3A : memref<640xf32, #tpu.memory_space<vmem_shared>>)
      tpu.yield
    }) : () -> ()
    "tpu.region"() ({
      %run_scoped3A_17 = tpu.sem_alloc : memref<!tpu.dma_semaphore, #tpu.memory_space<semaphore_mem>>
      tpu.enqueue_dma source(%arg3 : memref<200xf32, #tpu.memory_space<hbm>>) target(%arg7 : memref<200xf32, #tpu.memory_space<vmem>>) target_semaphore(%run_scoped3A_17 : memref<!tpu.dma_semaphore, #tpu.memory_space<semaphore_mem>>)
      tpu.wait_dma2 semaphore(%run_scoped3A_17 : memref<!tpu.dma_semaphore, #tpu.memory_space<semaphore_mem>>) src(%arg3 : memref<200xf32, #tpu.memory_space<hbm>>) dst(%arg7 : memref<200xf32, #tpu.memory_space<vmem>>)
      tpu.yield
    }) : () -> ()
    %mul3A_3 = arith.constant 10000 : i32
    %mul3A_4 = arith.muli %add3A, %mul3A_3 : i32
    %run_scoped3A = arith.constant 1 : i32
    "tpu.region"() ({
      %run_scoped3A_17 = tpu.sem_alloc : memref<!tpu.dma_semaphore, #tpu.memory_space<semaphore_mem>>
      %dma_start3A = tpu.memref_slice %arg2[%run_scoped3A, %mul3A_4] : memref<2x320000xi32, #tpu.memory_space<hbm>> -> memref<1x10000xi32, #tpu.memory_space<hbm>>
      %dma_start3A_18 = tpu.memref_squeeze %dma_start3A : memref<1x10000xi32, #tpu.memory_space<hbm>> -> memref<10000xi32, #tpu.memory_space<hbm>>
      %dma_start3A_19 = tpu.memref_slice %arg2[%run_scoped3A, %mul3A_4] : memref<2x320000xi32, #tpu.memory_space<hbm>> -> memref<1x10000xi32, #tpu.memory_space<hbm>>
      %dma_start3A_20 = tpu.memref_squeeze %dma_start3A_19 : memref<1x10000xi32, #tpu.memory_space<hbm>> -> memref<10000xi32, #tpu.memory_space<hbm>>
      tpu.enqueue_dma source(%dma_start3A_20 : memref<10000xi32, #tpu.memory_space<hbm>>) target(%arg6 : memref<10000xi32, #tpu.memory_space<vmem>>) target_semaphore(%run_scoped3A_17 : memref<!tpu.dma_semaphore, #tpu.memory_space<semaphore_mem>>)
      %dma_wait3A = tpu.memref_slice %arg2[%run_scoped3A, %mul3A_4] : memref<2x320000xi32, #tpu.memory_space<hbm>> -> memref<1x10000xi32, #tpu.memory_space<hbm>>
      %dma_wait3A_21 = tpu.memref_squeeze %dma_wait3A : memref<1x10000xi32, #tpu.memory_space<hbm>> -> memref<10000xi32, #tpu.memory_space<hbm>>
      %dma_wait3A_22 = tpu.memref_slice %arg2[%run_scoped3A, %mul3A_4] : memref<2x320000xi32, #tpu.memory_space<hbm>> -> memref<1x10000xi32, #tpu.memory_space<hbm>>
      %dma_wait3A_23 = tpu.memref_squeeze %dma_wait3A_22 : memref<1x10000xi32, #tpu.memory_space<hbm>> -> memref<10000xi32, #tpu.memory_space<hbm>>
      tpu.wait_dma2 semaphore(%run_scoped3A_17 : memref<!tpu.dma_semaphore, #tpu.memory_space<semaphore_mem>>) src(%dma_wait3A_23 : memref<10000xi32, #tpu.memory_space<hbm>>) dst(%arg6 : memref<10000xi32, #tpu.memory_space<vmem>>)
      tpu.yield
    }) : () -> ()
    %barrier3A = arith.constant 0 : index
    tpu.barrier barrier_id(%barrier3A)
    %scan3A = arith.constant 0 : i32
    %scan3A_5 = arith.constant 0 : i32
    %scan3A_6 = arith.constant 50 : i32
    %scan3A_7 = arith.addi %scan3A_5, %scan3A_6 : i32
    %scan3A_8 = arith.constant 1 : i32
    scf.for %scan3A_17 = %scan3A_5 to %scan3A_7 step %scan3A_8  : i32 {
      %mul3A_18 = arith.constant 200 : i32
      %mul3A_19 = arith.muli %scan3A_17, %mul3A_18 : i32
      %dma_start3A = tpu.memref_slice %arg6[%mul3A_19] : memref<10000xi32, #tpu.memory_space<vmem>> -> memref<200xi32, #tpu.memory_space<vmem>>
      %dma_start3A_20 = arith.constant 0 : i32
      %dma_start3A_21 = tpu.memref_slice %arg8[%dma_start3A_20] : memref<10240xf32, #tpu.memory_space<vmem_shared>> -> memref<10240xf32, #tpu.memory_space<vmem_shared>>
      tpu.enqueue_indirect_dma source(%arg7 : memref<200xf32, #tpu.memory_space<vmem>>) target(%dma_start3A_21 : memref<10240xf32, #tpu.memory_space<vmem_shared>>) offsets(%dma_start3A : memref<200xi32, #tpu.memory_space<vmem>>) semaphore(%arg9 : memref<!tpu.dma_semaphore, #tpu.memory_space<semaphore_mem>>) {add = true}
    }
    %scan3A_9 = arith.constant 50 : i32
    %scan3A_10 = arith.constant 0 : i32
    %scan3A_11 = arith.constant 0 : i32
    %scan3A_12 = arith.constant 50 : i32
    %scan3A_13 = arith.addi %scan3A_11, %scan3A_12 : i32
    %scan3A_14 = arith.constant 1 : i32
    scf.for %scan3A_17 = %scan3A_11 to %scan3A_13 step %scan3A_14  : i32 {
      tpu.wait_dma2 semaphore(%arg9 : memref<!tpu.dma_semaphore, #tpu.memory_space<semaphore_mem>>) src(%arg3 : memref<200xf32, #tpu.memory_space<hbm>>) dst(%arg7 : memref<200xf32, #tpu.memory_space<vmem>>)
    }
    %scan3A_15 = arith.constant 50 : i32
    %barrier3A_16 = arith.constant 0 : index
    tpu.barrier barrier_id(%barrier3A_16)
    "tpu.region"() ({
      %run_scoped3A_17 = tpu.sem_alloc : memref<!tpu.dma_semaphore, #tpu.memory_space<semaphore_mem>>
      %dma_start3A = arith.constant 0 : i32
      %dma_start3A_18 = tpu.memref_slice %arg5[%add3A, %dma_start3A] : memref<32x640xf32, #tpu.memory_space<hbm>> -> memref<1x640xf32, #tpu.memory_space<hbm>>
      %dma_start3A_19 = tpu.memref_squeeze %dma_start3A_18 : memref<1x640xf32, #tpu.memory_space<hbm>> -> memref<640xf32, #tpu.memory_space<hbm>>
      %dma_start3A_20 = tpu.memref_slice %arg8[%mul3A_2] : memref<10240xf32, #tpu.memory_space<vmem_shared>> -> memref<640xf32, #tpu.memory_space<vmem_shared>>
      tpu.enqueue_dma source(%dma_start3A_20 : memref<640xf32, #tpu.memory_space<vmem_shared>>) target(%dma_start3A_19 : memref<640xf32, #tpu.memory_space<hbm>>) target_semaphore(%run_scoped3A_17 : memref<!tpu.dma_semaphore, #tpu.memory_space<semaphore_mem>>)
      %dma_wait3A = arith.constant 0 : i32
      %dma_wait3A_21 = tpu.memref_slice %arg5[%add3A, %dma_wait3A] : memref<32x640xf32, #tpu.memory_space<hbm>> -> memref<1x640xf32, #tpu.memory_space<hbm>>
      %dma_wait3A_22 = tpu.memref_squeeze %dma_wait3A_21 : memref<1x640xf32, #tpu.memory_space<hbm>> -> memref<640xf32, #tpu.memory_space<hbm>>
      %dma_wait3A_23 = tpu.memref_slice %arg8[%mul3A_2] : memref<10240xf32, #tpu.memory_space<vmem_shared>> -> memref<640xf32, #tpu.memory_space<vmem_shared>>
      tpu.wait_dma2 semaphore(%run_scoped3A_17 : memref<!tpu.dma_semaphore, #tpu.memory_space<semaphore_mem>>) src(%dma_wait3A_23 : memref<640xf32, #tpu.memory_space<vmem_shared>>) dst(%dma_wait3A_22 : memref<640xf32, #tpu.memory_space<hbm>>)
      tpu.yield
    }) : () -> ()
    return
  }
}

#map = affine_map<(d0, d1) -> (0, 0)>
#map1 = affine_map<(d0, d1) -> (0, 0, 0)>
module attributes {stable_mosaic.version = 14 : i64} {
  func.func @agg(%arg0: i32, %arg1: i32, %arg2: memref<2x320000xi32, #tpu.memory_space<hbm>>, %arg3: memref<10000x32xf32, #tpu.memory_space<hbm>>, %arg4: memref<10240x32xf32, #tpu.memory_space<hbm>>, %arg5: memref<32x640x32xf32, #tpu.memory_space<hbm>>, %arg6: memref<10000xi32, #tpu.memory_space<vmem>>, %arg7: memref<10000xi32, #tpu.memory_space<vmem>>, %arg8: memref<200x32xf32, #tpu.memory_space<vmem>>, %arg9: memref<200x32xf32, #tpu.memory_space<vmem>>, %arg10: memref<200x32xf32, #tpu.memory_space<vmem>>, %arg11: memref<200x32xf32, #tpu.memory_space<vmem>>, %arg12: memref<200x32xf32, #tpu.memory_space<vmem>>, %arg13: memref<10240x32xf32, #tpu.memory_space<vmem_shared>>, %arg14: memref<!tpu.dma_semaphore, #tpu.memory_space<semaphore_mem>>, %arg15: memref<!tpu.dma_semaphore, #tpu.memory_space<semaphore_mem>>, %arg16: memref<!tpu.dma_semaphore, #tpu.memory_space<semaphore_mem>>, %arg17: memref<!tpu.dma_semaphore, #tpu.memory_space<semaphore_mem>>, %arg18: memref<!tpu.dma_semaphore, #tpu.memory_space<semaphore_mem>>, %arg19: memref<!tpu.dma_semaphore, #tpu.memory_space<semaphore_mem>>) attributes {dimension_semantics = [#tpu.dimension_semantics<core_parallel>, #tpu.dimension_semantics<subcore_parallel>], iteration_bounds = array<i64: 2, 16>, scalar_prefetch = 0 : i64, scratch_operands = 14 : i64, tpu.core_type = #tpu.core_type<sc_vector_subcore>, window_params = [{transform_indices = #map}, {transform_indices = #map}, {transform_indices = #map}, {transform_indices = #map1}]} {
    %mul3A = arith.constant 16 : i32
    %mul3A_0 = arith.muli %arg0, %mul3A : i32
    %add3A = arith.addi %mul3A_0, %arg1 : i32
    %mul3A_1 = arith.constant 640 : i32
    %mul3A_2 = arith.muli %arg1, %mul3A_1 : i32
    "tpu.region"() ({
      %run_scoped3A = tpu.sem_alloc : memref<!tpu.dma_semaphore, #tpu.memory_space<semaphore_mem>>
      %dma_start3A_61 = arith.constant 0 : i32
      %dma_start3A_62 = tpu.memref_slice %arg13[%mul3A_2, %dma_start3A_61] : memref<10240x32xf32, #tpu.memory_space<vmem_shared>> -> memref<640x32xf32, #tpu.memory_space<vmem_shared>>
      %dma_start3A_63 = arith.constant 0 : i32
      %dma_start3A_64 = tpu.memref_slice %arg4[%mul3A_2, %dma_start3A_63] : memref<10240x32xf32, #tpu.memory_space<hbm>> -> memref<640x32xf32, #tpu.memory_space<hbm>>
      tpu.enqueue_dma source(%dma_start3A_64 : memref<640x32xf32, #tpu.memory_space<hbm>>) target(%dma_start3A_62 : memref<640x32xf32, #tpu.memory_space<vmem_shared>>) target_semaphore(%run_scoped3A : memref<!tpu.dma_semaphore, #tpu.memory_space<semaphore_mem>>)
      %dma_wait3A_65 = arith.constant 0 : i32
      %dma_wait3A_66 = tpu.memref_slice %arg13[%mul3A_2, %dma_wait3A_65] : memref<10240x32xf32, #tpu.memory_space<vmem_shared>> -> memref<640x32xf32, #tpu.memory_space<vmem_shared>>
      %dma_wait3A_67 = arith.constant 0 : i32
      %dma_wait3A_68 = tpu.memref_slice %arg4[%mul3A_2, %dma_wait3A_67] : memref<10240x32xf32, #tpu.memory_space<hbm>> -> memref<640x32xf32, #tpu.memory_space<hbm>>
      tpu.wait_dma2 semaphore(%run_scoped3A : memref<!tpu.dma_semaphore, #tpu.memory_space<semaphore_mem>>) src(%dma_wait3A_68 : memref<640x32xf32, #tpu.memory_space<hbm>>) dst(%dma_wait3A_66 : memref<640x32xf32, #tpu.memory_space<vmem_shared>>)
      tpu.yield
    }) : () -> ()
    %mul3A_3 = arith.constant 10000 : i32
    %mul3A_4 = arith.muli %add3A, %mul3A_3 : i32
    %dma_start3A = arith.constant 0 : i32
    %dma_start3A_5 = tpu.memref_slice %arg2[%dma_start3A, %mul3A_4] : memref<2x320000xi32, #tpu.memory_space<hbm>> -> memref<1x10000xi32, #tpu.memory_space<hbm>>
    %dma_start3A_6 = tpu.memref_squeeze %dma_start3A_5 : memref<1x10000xi32, #tpu.memory_space<hbm>> -> memref<10000xi32, #tpu.memory_space<hbm>>
    %dma_start3A_7 = tpu.memref_slice %arg2[%dma_start3A, %mul3A_4] : memref<2x320000xi32, #tpu.memory_space<hbm>> -> memref<1x10000xi32, #tpu.memory_space<hbm>>
    %dma_start3A_8 = tpu.memref_squeeze %dma_start3A_7 : memref<1x10000xi32, #tpu.memory_space<hbm>> -> memref<10000xi32, #tpu.memory_space<hbm>>
    tpu.enqueue_dma source(%dma_start3A_8 : memref<10000xi32, #tpu.memory_space<hbm>>) target(%arg6 : memref<10000xi32, #tpu.memory_space<vmem>>) target_semaphore(%arg19 : memref<!tpu.dma_semaphore, #tpu.memory_space<semaphore_mem>>)
    %mul3A_9 = arith.constant 10000 : i32
    %mul3A_10 = arith.muli %add3A, %mul3A_9 : i32
    %dma_start3A_11 = arith.constant 1 : i32
    %dma_start3A_12 = tpu.memref_slice %arg2[%dma_start3A_11, %mul3A_10] : memref<2x320000xi32, #tpu.memory_space<hbm>> -> memref<1x10000xi32, #tpu.memory_space<hbm>>
    %dma_start3A_13 = tpu.memref_squeeze %dma_start3A_12 : memref<1x10000xi32, #tpu.memory_space<hbm>> -> memref<10000xi32, #tpu.memory_space<hbm>>
    %dma_start3A_14 = tpu.memref_slice %arg2[%dma_start3A_11, %mul3A_10] : memref<2x320000xi32, #tpu.memory_space<hbm>> -> memref<1x10000xi32, #tpu.memory_space<hbm>>
    %dma_start3A_15 = tpu.memref_squeeze %dma_start3A_14 : memref<1x10000xi32, #tpu.memory_space<hbm>> -> memref<10000xi32, #tpu.memory_space<hbm>>
    tpu.enqueue_dma source(%dma_start3A_15 : memref<10000xi32, #tpu.memory_space<hbm>>) target(%arg7 : memref<10000xi32, #tpu.memory_space<vmem>>) target_semaphore(%arg19 : memref<!tpu.dma_semaphore, #tpu.memory_space<semaphore_mem>>)
    %dma_wait3A = arith.constant 0 : i32
    %dma_wait3A_16 = tpu.memref_slice %arg2[%dma_wait3A, %mul3A_4] : memref<2x320000xi32, #tpu.memory_space<hbm>> -> memref<1x10000xi32, #tpu.memory_space<hbm>>
    %dma_wait3A_17 = tpu.memref_squeeze %dma_wait3A_16 : memref<1x10000xi32, #tpu.memory_space<hbm>> -> memref<10000xi32, #tpu.memory_space<hbm>>
    %dma_wait3A_18 = tpu.memref_slice %arg2[%dma_wait3A, %mul3A_4] : memref<2x320000xi32, #tpu.memory_space<hbm>> -> memref<1x10000xi32, #tpu.memory_space<hbm>>
    %dma_wait3A_19 = tpu.memref_squeeze %dma_wait3A_18 : memref<1x10000xi32, #tpu.memory_space<hbm>> -> memref<10000xi32, #tpu.memory_space<hbm>>
    tpu.wait_dma2 semaphore(%arg19 : memref<!tpu.dma_semaphore, #tpu.memory_space<semaphore_mem>>) src(%dma_wait3A_19 : memref<10000xi32, #tpu.memory_space<hbm>>) dst(%arg6 : memref<10000xi32, #tpu.memory_space<vmem>>)
    %dma_wait3A_20 = arith.constant 1 : i32
    %dma_wait3A_21 = tpu.memref_slice %arg2[%dma_wait3A_20, %mul3A_10] : memref<2x320000xi32, #tpu.memory_space<hbm>> -> memref<1x10000xi32, #tpu.memory_space<hbm>>
    %dma_wait3A_22 = tpu.memref_squeeze %dma_wait3A_21 : memref<1x10000xi32, #tpu.memory_space<hbm>> -> memref<10000xi32, #tpu.memory_space<hbm>>
    %dma_wait3A_23 = tpu.memref_slice %arg2[%dma_wait3A_20, %mul3A_10] : memref<2x320000xi32, #tpu.memory_space<hbm>> -> memref<1x10000xi32, #tpu.memory_space<hbm>>
    %dma_wait3A_24 = tpu.memref_squeeze %dma_wait3A_23 : memref<1x10000xi32, #tpu.memory_space<hbm>> -> memref<10000xi32, #tpu.memory_space<hbm>>
    tpu.wait_dma2 semaphore(%arg19 : memref<!tpu.dma_semaphore, #tpu.memory_space<semaphore_mem>>) src(%dma_wait3A_24 : memref<10000xi32, #tpu.memory_space<hbm>>) dst(%arg7 : memref<10000xi32, #tpu.memory_space<vmem>>)
    %barrier3A = arith.constant 0 : index
    tpu.barrier barrier_id(%barrier3A)
    %scan3A = arith.constant 0 : i32
    %scan3A_25 = arith.constant 0 : i32
    %scan3A_26 = arith.constant 10 : i32
    %scan3A_27 = arith.addi %scan3A_25, %scan3A_26 : i32
    %scan3A_28 = arith.constant 1 : i32
    scf.for %scan3A_61 = %scan3A_25 to %scan3A_27 step %scan3A_28  : i32 {
      %mul3A_62 = arith.constant 5 : i32
      %mul3A_63 = arith.muli %scan3A_61, %mul3A_62 : i32
      %mul3A_64 = arith.constant 200 : i32
      %mul3A_65 = arith.muli %mul3A_63, %mul3A_64 : i32
      %gt3A = arith.constant 0 : i32
      %gt3A_66 = arith.cmpi sgt, %scan3A_61, %gt3A : i32
      %convert_element_type3A = arith.extui %gt3A_66 : i1 to i32
      %cond3A = arith.constant 0 : i32
      %cond3A_67 = arith.cmpi ne, %convert_element_type3A, %cond3A : i32
      scf.if %cond3A_67 {
        %dma_wait3A_148 = arith.constant 0 : i32
        %dma_wait3A_149 = arith.constant 0 : i32
        %dma_wait3A_150 = tpu.memref_slice %arg3[%dma_wait3A_148, %dma_wait3A_149] : memref<10000x32xf32, #tpu.memory_space<hbm>> -> memref<200x32xf32, #tpu.memory_space<hbm>>
        %dma_wait3A_151 = arith.constant 0 : i32
        %dma_wait3A_152 = arith.constant 0 : i32
        %dma_wait3A_153 = tpu.memref_slice %arg3[%dma_wait3A_151, %dma_wait3A_152] : memref<10000x32xf32, #tpu.memory_space<hbm>> -> memref<200x32xf32, #tpu.memory_space<hbm>>
        tpu.wait_dma2 semaphore(%arg19 : memref<!tpu.dma_semaphore, #tpu.memory_space<semaphore_mem>>) src(%dma_wait3A_153 : memref<200x32xf32, #tpu.memory_space<hbm>>) dst(%arg8 : memref<200x32xf32, #tpu.memory_space<vmem>>)
        %dma_wait3A_154 = arith.constant 0 : i32
        %dma_wait3A_155 = arith.constant 0 : i32
        %dma_wait3A_156 = tpu.memref_slice %arg3[%dma_wait3A_154, %dma_wait3A_155] : memref<10000x32xf32, #tpu.memory_space<hbm>> -> memref<200x32xf32, #tpu.memory_space<hbm>>
        %dma_wait3A_157 = arith.constant 0 : i32
        %dma_wait3A_158 = arith.constant 0 : i32
        %dma_wait3A_159 = tpu.memref_slice %arg3[%dma_wait3A_157, %dma_wait3A_158] : memref<10000x32xf32, #tpu.memory_space<hbm>> -> memref<200x32xf32, #tpu.memory_space<hbm>>
        tpu.wait_dma2 semaphore(%arg19 : memref<!tpu.dma_semaphore, #tpu.memory_space<semaphore_mem>>) src(%dma_wait3A_159 : memref<200x32xf32, #tpu.memory_space<hbm>>) dst(%arg9 : memref<200x32xf32, #tpu.memory_space<vmem>>)
        %dma_wait3A_160 = arith.constant 0 : i32
        %dma_wait3A_161 = arith.constant 0 : i32
        %dma_wait3A_162 = tpu.memref_slice %arg3[%dma_wait3A_160, %dma_wait3A_161] : memref<10000x32xf32, #tpu.memory_space<hbm>> -> memref<200x32xf32, #tpu.memory_space<hbm>>
        %dma_wait3A_163 = arith.constant 0 : i32
        %dma_wait3A_164 = arith.constant 0 : i32
        %dma_wait3A_165 = tpu.memref_slice %arg3[%dma_wait3A_163, %dma_wait3A_164] : memref<10000x32xf32, #tpu.memory_space<hbm>> -> memref<200x32xf32, #tpu.memory_space<hbm>>
        tpu.wait_dma2 semaphore(%arg19 : memref<!tpu.dma_semaphore, #tpu.memory_space<semaphore_mem>>) src(%dma_wait3A_165 : memref<200x32xf32, #tpu.memory_space<hbm>>) dst(%arg10 : memref<200x32xf32, #tpu.memory_space<vmem>>)
        %dma_wait3A_166 = arith.constant 0 : i32
        %dma_wait3A_167 = arith.constant 0 : i32
        %dma_wait3A_168 = tpu.memref_slice %arg3[%dma_wait3A_166, %dma_wait3A_167] : memref<10000x32xf32, #tpu.memory_space<hbm>> -> memref<200x32xf32, #tpu.memory_space<hbm>>
        %dma_wait3A_169 = arith.constant 0 : i32
        %dma_wait3A_170 = arith.constant 0 : i32
        %dma_wait3A_171 = tpu.memref_slice %arg3[%dma_wait3A_169, %dma_wait3A_170] : memref<10000x32xf32, #tpu.memory_space<hbm>> -> memref<200x32xf32, #tpu.memory_space<hbm>>
        tpu.wait_dma2 semaphore(%arg19 : memref<!tpu.dma_semaphore, #tpu.memory_space<semaphore_mem>>) src(%dma_wait3A_171 : memref<200x32xf32, #tpu.memory_space<hbm>>) dst(%arg11 : memref<200x32xf32, #tpu.memory_space<vmem>>)
        %dma_wait3A_172 = arith.constant 0 : i32
        %dma_wait3A_173 = arith.constant 0 : i32
        %dma_wait3A_174 = tpu.memref_slice %arg3[%dma_wait3A_172, %dma_wait3A_173] : memref<10000x32xf32, #tpu.memory_space<hbm>> -> memref<200x32xf32, #tpu.memory_space<hbm>>
        %dma_wait3A_175 = arith.constant 0 : i32
        %dma_wait3A_176 = arith.constant 0 : i32
        %dma_wait3A_177 = tpu.memref_slice %arg3[%dma_wait3A_175, %dma_wait3A_176] : memref<10000x32xf32, #tpu.memory_space<hbm>> -> memref<200x32xf32, #tpu.memory_space<hbm>>
        tpu.wait_dma2 semaphore(%arg19 : memref<!tpu.dma_semaphore, #tpu.memory_space<semaphore_mem>>) src(%dma_wait3A_177 : memref<200x32xf32, #tpu.memory_space<hbm>>) dst(%arg12 : memref<200x32xf32, #tpu.memory_space<vmem>>)
      } else {
      }
      %add3A_68 = arith.constant 0 : i32
      %add3A_69 = arith.addi %mul3A_65, %add3A_68 : i32
      %dma_start3A_70 = tpu.memref_slice %arg6[%add3A_69] : memref<10000xi32, #tpu.memory_space<vmem>> -> memref<200xi32, #tpu.memory_space<vmem>>
      %dma_start3A_71 = arith.constant 0 : i32
      %dma_start3A_72 = arith.constant 0 : i32
      %dma_start3A_73 = tpu.memref_slice %arg3[%dma_start3A_71, %dma_start3A_72] : memref<10000x32xf32, #tpu.memory_space<hbm>> -> memref<10000x32xf32, #tpu.memory_space<hbm>>
      tpu.enqueue_indirect_dma source(%dma_start3A_73 : memref<10000x32xf32, #tpu.memory_space<hbm>>) target(%arg8 : memref<200x32xf32, #tpu.memory_space<vmem>>) offsets(%dma_start3A_70 : memref<200xi32, #tpu.memory_space<vmem>>) semaphore(%arg14 : memref<!tpu.dma_semaphore, #tpu.memory_space<semaphore_mem>>)
      %add3A_74 = arith.constant 200 : i32
      %add3A_75 = arith.addi %mul3A_65, %add3A_74 : i32
      %dma_start3A_76 = tpu.memref_slice %arg6[%add3A_75] : memref<10000xi32, #tpu.memory_space<vmem>> -> memref<200xi32, #tpu.memory_space<vmem>>
      %dma_start3A_77 = arith.constant 0 : i32
      %dma_start3A_78 = arith.constant 0 : i32
      %dma_start3A_79 = tpu.memref_slice %arg3[%dma_start3A_77, %dma_start3A_78] : memref<10000x32xf32, #tpu.memory_space<hbm>> -> memref<10000x32xf32, #tpu.memory_space<hbm>>
      tpu.enqueue_indirect_dma source(%dma_start3A_79 : memref<10000x32xf32, #tpu.memory_space<hbm>>) target(%arg9 : memref<200x32xf32, #tpu.memory_space<vmem>>) offsets(%dma_start3A_76 : memref<200xi32, #tpu.memory_space<vmem>>) semaphore(%arg15 : memref<!tpu.dma_semaphore, #tpu.memory_space<semaphore_mem>>)
      %add3A_80 = arith.constant 400 : i32
      %add3A_81 = arith.addi %mul3A_65, %add3A_80 : i32
      %dma_start3A_82 = tpu.memref_slice %arg6[%add3A_81] : memref<10000xi32, #tpu.memory_space<vmem>> -> memref<200xi32, #tpu.memory_space<vmem>>
      %dma_start3A_83 = arith.constant 0 : i32
      %dma_start3A_84 = arith.constant 0 : i32
      %dma_start3A_85 = tpu.memref_slice %arg3[%dma_start3A_83, %dma_start3A_84] : memref<10000x32xf32, #tpu.memory_space<hbm>> -> memref<10000x32xf32, #tpu.memory_space<hbm>>
      tpu.enqueue_indirect_dma source(%dma_start3A_85 : memref<10000x32xf32, #tpu.memory_space<hbm>>) target(%arg10 : memref<200x32xf32, #tpu.memory_space<vmem>>) offsets(%dma_start3A_82 : memref<200xi32, #tpu.memory_space<vmem>>) semaphore(%arg16 : memref<!tpu.dma_semaphore, #tpu.memory_space<semaphore_mem>>)
      %add3A_86 = arith.constant 600 : i32
      %add3A_87 = arith.addi %mul3A_65, %add3A_86 : i32
      %dma_start3A_88 = tpu.memref_slice %arg6[%add3A_87] : memref<10000xi32, #tpu.memory_space<vmem>> -> memref<200xi32, #tpu.memory_space<vmem>>
      %dma_start3A_89 = arith.constant 0 : i32
      %dma_start3A_90 = arith.constant 0 : i32
      %dma_start3A_91 = tpu.memref_slice %arg3[%dma_start3A_89, %dma_start3A_90] : memref<10000x32xf32, #tpu.memory_space<hbm>> -> memref<10000x32xf32, #tpu.memory_space<hbm>>
      tpu.enqueue_indirect_dma source(%dma_start3A_91 : memref<10000x32xf32, #tpu.memory_space<hbm>>) target(%arg11 : memref<200x32xf32, #tpu.memory_space<vmem>>) offsets(%dma_start3A_88 : memref<200xi32, #tpu.memory_space<vmem>>) semaphore(%arg17 : memref<!tpu.dma_semaphore, #tpu.memory_space<semaphore_mem>>)
      %add3A_92 = arith.constant 800 : i32
      %add3A_93 = arith.addi %mul3A_65, %add3A_92 : i32
      %dma_start3A_94 = tpu.memref_slice %arg6[%add3A_93] : memref<10000xi32, #tpu.memory_space<vmem>> -> memref<200xi32, #tpu.memory_space<vmem>>
      %dma_start3A_95 = arith.constant 0 : i32
      %dma_start3A_96 = arith.constant 0 : i32
      %dma_start3A_97 = tpu.memref_slice %arg3[%dma_start3A_95, %dma_start3A_96] : memref<10000x32xf32, #tpu.memory_space<hbm>> -> memref<10000x32xf32, #tpu.memory_space<hbm>>
      tpu.enqueue_indirect_dma source(%dma_start3A_97 : memref<10000x32xf32, #tpu.memory_space<hbm>>) target(%arg12 : memref<200x32xf32, #tpu.memory_space<vmem>>) offsets(%dma_start3A_94 : memref<200xi32, #tpu.memory_space<vmem>>) semaphore(%arg18 : memref<!tpu.dma_semaphore, #tpu.memory_space<semaphore_mem>>)
      %dma_wait3A_98 = tpu.memref_slice %arg6[%add3A_69] : memref<10000xi32, #tpu.memory_space<vmem>> -> memref<200xi32, #tpu.memory_space<vmem>>
      %dma_wait3A_99 = arith.constant 0 : i32
      %dma_wait3A_100 = arith.constant 0 : i32
      %dma_wait3A_101 = tpu.memref_slice %arg3[%dma_wait3A_99, %dma_wait3A_100] : memref<10000x32xf32, #tpu.memory_space<hbm>> -> memref<10000x32xf32, #tpu.memory_space<hbm>>
      tpu.wait_indirect_dma semaphore(%arg14 : memref<!tpu.dma_semaphore, #tpu.memory_space<semaphore_mem>>) src(%dma_wait3A_101 : memref<10000x32xf32, #tpu.memory_space<hbm>>) dst(%arg8 : memref<200x32xf32, #tpu.memory_space<vmem>>)
      %add3A_102 = arith.constant 0 : i32
      %add3A_103 = arith.addi %mul3A_65, %add3A_102 : i32
      %dma_start3A_104 = tpu.memref_slice %arg7[%add3A_103] : memref<10000xi32, #tpu.memory_space<vmem>> -> memref<200xi32, #tpu.memory_space<vmem>>
      %dma_start3A_105 = arith.constant 0 : i32
      %dma_start3A_106 = arith.constant 0 : i32
      %dma_start3A_107 = tpu.memref_slice %arg13[%dma_start3A_105, %dma_start3A_106] : memref<10240x32xf32, #tpu.memory_space<vmem_shared>> -> memref<10240x32xf32, #tpu.memory_space<vmem_shared>>
      tpu.enqueue_indirect_dma source(%arg8 : memref<200x32xf32, #tpu.memory_space<vmem>>) target(%dma_start3A_107 : memref<10240x32xf32, #tpu.memory_space<vmem_shared>>) offsets(%dma_start3A_104 : memref<200xi32, #tpu.memory_space<vmem>>) semaphore(%arg19 : memref<!tpu.dma_semaphore, #tpu.memory_space<semaphore_mem>>) {add = true}
      %dma_wait3A_108 = tpu.memref_slice %arg6[%add3A_75] : memref<10000xi32, #tpu.memory_space<vmem>> -> memref<200xi32, #tpu.memory_space<vmem>>
      %dma_wait3A_109 = arith.constant 0 : i32
      %dma_wait3A_110 = arith.constant 0 : i32
      %dma_wait3A_111 = tpu.memref_slice %arg3[%dma_wait3A_109, %dma_wait3A_110] : memref<10000x32xf32, #tpu.memory_space<hbm>> -> memref<10000x32xf32, #tpu.memory_space<hbm>>
      tpu.wait_indirect_dma semaphore(%arg15 : memref<!tpu.dma_semaphore, #tpu.memory_space<semaphore_mem>>) src(%dma_wait3A_111 : memref<10000x32xf32, #tpu.memory_space<hbm>>) dst(%arg9 : memref<200x32xf32, #tpu.memory_space<vmem>>)
      %add3A_112 = arith.constant 200 : i32
      %add3A_113 = arith.addi %mul3A_65, %add3A_112 : i32
      %dma_start3A_114 = tpu.memref_slice %arg7[%add3A_113] : memref<10000xi32, #tpu.memory_space<vmem>> -> memref<200xi32, #tpu.memory_space<vmem>>
      %dma_start3A_115 = arith.constant 0 : i32
      %dma_start3A_116 = arith.constant 0 : i32
      %dma_start3A_117 = tpu.memref_slice %arg13[%dma_start3A_115, %dma_start3A_116] : memref<10240x32xf32, #tpu.memory_space<vmem_shared>> -> memref<10240x32xf32, #tpu.memory_space<vmem_shared>>
      tpu.enqueue_indirect_dma source(%arg9 : memref<200x32xf32, #tpu.memory_space<vmem>>) target(%dma_start3A_117 : memref<10240x32xf32, #tpu.memory_space<vmem_shared>>) offsets(%dma_start3A_114 : memref<200xi32, #tpu.memory_space<vmem>>) semaphore(%arg19 : memref<!tpu.dma_semaphore, #tpu.memory_space<semaphore_mem>>) {add = true}
      %dma_wait3A_118 = tpu.memref_slice %arg6[%add3A_81] : memref<10000xi32, #tpu.memory_space<vmem>> -> memref<200xi32, #tpu.memory_space<vmem>>
      %dma_wait3A_119 = arith.constant 0 : i32
      %dma_wait3A_120 = arith.constant 0 : i32
      %dma_wait3A_121 = tpu.memref_slice %arg3[%dma_wait3A_119, %dma_wait3A_120] : memref<10000x32xf32, #tpu.memory_space<hbm>> -> memref<10000x32xf32, #tpu.memory_space<hbm>>
      tpu.wait_indirect_dma semaphore(%arg16 : memref<!tpu.dma_semaphore, #tpu.memory_space<semaphore_mem>>) src(%dma_wait3A_121 : memref<10000x32xf32, #tpu.memory_space<hbm>>) dst(%arg10 : memref<200x32xf32, #tpu.memory_space<vmem>>)
      %add3A_122 = arith.constant 400 : i32
      %add3A_123 = arith.addi %mul3A_65, %add3A_122 : i32
      %dma_start3A_124 = tpu.memref_slice %arg7[%add3A_123] : memref<10000xi32, #tpu.memory_space<vmem>> -> memref<200xi32, #tpu.memory_space<vmem>>
      %dma_start3A_125 = arith.constant 0 : i32
      %dma_start3A_126 = arith.constant 0 : i32
      %dma_start3A_127 = tpu.memref_slice %arg13[%dma_start3A_125, %dma_start3A_126] : memref<10240x32xf32, #tpu.memory_space<vmem_shared>> -> memref<10240x32xf32, #tpu.memory_space<vmem_shared>>
      tpu.enqueue_indirect_dma source(%arg10 : memref<200x32xf32, #tpu.memory_space<vmem>>) target(%dma_start3A_127 : memref<10240x32xf32, #tpu.memory_space<vmem_shared>>) offsets(%dma_start3A_124 : memref<200xi32, #tpu.memory_space<vmem>>) semaphore(%arg19 : memref<!tpu.dma_semaphore, #tpu.memory_space<semaphore_mem>>) {add = true}
      %dma_wait3A_128 = tpu.memref_slice %arg6[%add3A_87] : memref<10000xi32, #tpu.memory_space<vmem>> -> memref<200xi32, #tpu.memory_space<vmem>>
      %dma_wait3A_129 = arith.constant 0 : i32
      %dma_wait3A_130 = arith.constant 0 : i32
      %dma_wait3A_131 = tpu.memref_slice %arg3[%dma_wait3A_129, %dma_wait3A_130] : memref<10000x32xf32, #tpu.memory_space<hbm>> -> memref<10000x32xf32, #tpu.memory_space<hbm>>
      tpu.wait_indirect_dma semaphore(%arg17 : memref<!tpu.dma_semaphore, #tpu.memory_space<semaphore_mem>>) src(%dma_wait3A_131 : memref<10000x32xf32, #tpu.memory_space<hbm>>) dst(%arg11 : memref<200x32xf32, #tpu.memory_space<vmem>>)
      %add3A_132 = arith.constant 600 : i32
      %add3A_133 = arith.addi %mul3A_65, %add3A_132 : i32
      %dma_start3A_134 = tpu.memref_slice %arg7[%add3A_133] : memref<10000xi32, #tpu.memory_space<vmem>> -> memref<200xi32, #tpu.memory_space<vmem>>
      %dma_start3A_135 = arith.constant 0 : i32
      %dma_start3A_136 = arith.constant 0 : i32
      %dma_start3A_137 = tpu.memref_slice %arg13[%dma_start3A_135, %dma_start3A_136] : memref<10240x32xf32, #tpu.memory_space<vmem_shared>> -> memref<10240x32xf32, #tpu.memory_space<vmem_shared>>
      tpu.enqueue_indirect_dma source(%arg11 : memref<200x32xf32, #tpu.memory_space<vmem>>) target(%dma_start3A_137 : memref<10240x32xf32, #tpu.memory_space<vmem_shared>>) offsets(%dma_start3A_134 : memref<200xi32, #tpu.memory_space<vmem>>) semaphore(%arg19 : memref<!tpu.dma_semaphore, #tpu.memory_space<semaphore_mem>>) {add = true}
      %dma_wait3A_138 = tpu.memref_slice %arg6[%add3A_93] : memref<10000xi32, #tpu.memory_space<vmem>> -> memref<200xi32, #tpu.memory_space<vmem>>
      %dma_wait3A_139 = arith.constant 0 : i32
      %dma_wait3A_140 = arith.constant 0 : i32
      %dma_wait3A_141 = tpu.memref_slice %arg3[%dma_wait3A_139, %dma_wait3A_140] : memref<10000x32xf32, #tpu.memory_space<hbm>> -> memref<10000x32xf32, #tpu.memory_space<hbm>>
      tpu.wait_indirect_dma semaphore(%arg18 : memref<!tpu.dma_semaphore, #tpu.memory_space<semaphore_mem>>) src(%dma_wait3A_141 : memref<10000x32xf32, #tpu.memory_space<hbm>>) dst(%arg12 : memref<200x32xf32, #tpu.memory_space<vmem>>)
      %add3A_142 = arith.constant 800 : i32
      %add3A_143 = arith.addi %mul3A_65, %add3A_142 : i32
      %dma_start3A_144 = tpu.memref_slice %arg7[%add3A_143] : memref<10000xi32, #tpu.memory_space<vmem>> -> memref<200xi32, #tpu.memory_space<vmem>>
      %dma_start3A_145 = arith.constant 0 : i32
      %dma_start3A_146 = arith.constant 0 : i32
      %dma_start3A_147 = tpu.memref_slice %arg13[%dma_start3A_145, %dma_start3A_146] : memref<10240x32xf32, #tpu.memory_space<vmem_shared>> -> memref<10240x32xf32, #tpu.memory_space<vmem_shared>>
      tpu.enqueue_indirect_dma source(%arg12 : memref<200x32xf32, #tpu.memory_space<vmem>>) target(%dma_start3A_147 : memref<10240x32xf32, #tpu.memory_space<vmem_shared>>) offsets(%dma_start3A_144 : memref<200xi32, #tpu.memory_space<vmem>>) semaphore(%arg19 : memref<!tpu.dma_semaphore, #tpu.memory_space<semaphore_mem>>) {add = true}
    }
    %scan3A_29 = arith.constant 10 : i32
    %dma_wait3A_30 = arith.constant 0 : i32
    %dma_wait3A_31 = arith.constant 0 : i32
    %dma_wait3A_32 = tpu.memref_slice %arg3[%dma_wait3A_30, %dma_wait3A_31] : memref<10000x32xf32, #tpu.memory_space<hbm>> -> memref<200x32xf32, #tpu.memory_space<hbm>>
    %dma_wait3A_33 = arith.constant 0 : i32
    %dma_wait3A_34 = arith.constant 0 : i32
    %dma_wait3A_35 = tpu.memref_slice %arg3[%dma_wait3A_33, %dma_wait3A_34] : memref<10000x32xf32, #tpu.memory_space<hbm>> -> memref<200x32xf32, #tpu.memory_space<hbm>>
    tpu.wait_dma2 semaphore(%arg19 : memref<!tpu.dma_semaphore, #tpu.memory_space<semaphore_mem>>) src(%dma_wait3A_35 : memref<200x32xf32, #tpu.memory_space<hbm>>) dst(%arg8 : memref<200x32xf32, #tpu.memory_space<vmem>>)
    %dma_wait3A_36 = arith.constant 0 : i32
    %dma_wait3A_37 = arith.constant 0 : i32
    %dma_wait3A_38 = tpu.memref_slice %arg3[%dma_wait3A_36, %dma_wait3A_37] : memref<10000x32xf32, #tpu.memory_space<hbm>> -> memref<200x32xf32, #tpu.memory_space<hbm>>
    %dma_wait3A_39 = arith.constant 0 : i32
    %dma_wait3A_40 = arith.constant 0 : i32
    %dma_wait3A_41 = tpu.memref_slice %arg3[%dma_wait3A_39, %dma_wait3A_40] : memref<10000x32xf32, #tpu.memory_space<hbm>> -> memref<200x32xf32, #tpu.memory_space<hbm>>
    tpu.wait_dma2 semaphore(%arg19 : memref<!tpu.dma_semaphore, #tpu.memory_space<semaphore_mem>>) src(%dma_wait3A_41 : memref<200x32xf32, #tpu.memory_space<hbm>>) dst(%arg9 : memref<200x32xf32, #tpu.memory_space<vmem>>)
    %dma_wait3A_42 = arith.constant 0 : i32
    %dma_wait3A_43 = arith.constant 0 : i32
    %dma_wait3A_44 = tpu.memref_slice %arg3[%dma_wait3A_42, %dma_wait3A_43] : memref<10000x32xf32, #tpu.memory_space<hbm>> -> memref<200x32xf32, #tpu.memory_space<hbm>>
    %dma_wait3A_45 = arith.constant 0 : i32
    %dma_wait3A_46 = arith.constant 0 : i32
    %dma_wait3A_47 = tpu.memref_slice %arg3[%dma_wait3A_45, %dma_wait3A_46] : memref<10000x32xf32, #tpu.memory_space<hbm>> -> memref<200x32xf32, #tpu.memory_space<hbm>>
    tpu.wait_dma2 semaphore(%arg19 : memref<!tpu.dma_semaphore, #tpu.memory_space<semaphore_mem>>) src(%dma_wait3A_47 : memref<200x32xf32, #tpu.memory_space<hbm>>) dst(%arg10 : memref<200x32xf32, #tpu.memory_space<vmem>>)
    %dma_wait3A_48 = arith.constant 0 : i32
    %dma_wait3A_49 = arith.constant 0 : i32
    %dma_wait3A_50 = tpu.memref_slice %arg3[%dma_wait3A_48, %dma_wait3A_49] : memref<10000x32xf32, #tpu.memory_space<hbm>> -> memref<200x32xf32, #tpu.memory_space<hbm>>
    %dma_wait3A_51 = arith.constant 0 : i32
    %dma_wait3A_52 = arith.constant 0 : i32
    %dma_wait3A_53 = tpu.memref_slice %arg3[%dma_wait3A_51, %dma_wait3A_52] : memref<10000x32xf32, #tpu.memory_space<hbm>> -> memref<200x32xf32, #tpu.memory_space<hbm>>
    tpu.wait_dma2 semaphore(%arg19 : memref<!tpu.dma_semaphore, #tpu.memory_space<semaphore_mem>>) src(%dma_wait3A_53 : memref<200x32xf32, #tpu.memory_space<hbm>>) dst(%arg11 : memref<200x32xf32, #tpu.memory_space<vmem>>)
    %dma_wait3A_54 = arith.constant 0 : i32
    %dma_wait3A_55 = arith.constant 0 : i32
    %dma_wait3A_56 = tpu.memref_slice %arg3[%dma_wait3A_54, %dma_wait3A_55] : memref<10000x32xf32, #tpu.memory_space<hbm>> -> memref<200x32xf32, #tpu.memory_space<hbm>>
    %dma_wait3A_57 = arith.constant 0 : i32
    %dma_wait3A_58 = arith.constant 0 : i32
    %dma_wait3A_59 = tpu.memref_slice %arg3[%dma_wait3A_57, %dma_wait3A_58] : memref<10000x32xf32, #tpu.memory_space<hbm>> -> memref<200x32xf32, #tpu.memory_space<hbm>>
    tpu.wait_dma2 semaphore(%arg19 : memref<!tpu.dma_semaphore, #tpu.memory_space<semaphore_mem>>) src(%dma_wait3A_59 : memref<200x32xf32, #tpu.memory_space<hbm>>) dst(%arg12 : memref<200x32xf32, #tpu.memory_space<vmem>>)
    %barrier3A_60 = arith.constant 0 : index
    tpu.barrier barrier_id(%barrier3A_60)
    "tpu.region"() ({
      %run_scoped3A = tpu.sem_alloc : memref<!tpu.dma_semaphore, #tpu.memory_space<semaphore_mem>>
      %dma_start3A_61 = arith.constant 0 : i32
      %dma_start3A_62 = arith.constant 0 : i32
      %dma_start3A_63 = tpu.memref_slice %arg5[%add3A, %dma_start3A_61, %dma_start3A_62] : memref<32x640x32xf32, #tpu.memory_space<hbm>> -> memref<1x640x32xf32, #tpu.memory_space<hbm>>
      %dma_start3A_64 = tpu.memref_squeeze %dma_start3A_63 : memref<1x640x32xf32, #tpu.memory_space<hbm>> -> memref<640x32xf32, #tpu.memory_space<hbm>>
      %dma_start3A_65 = arith.constant 0 : i32
      %dma_start3A_66 = tpu.memref_slice %arg13[%mul3A_2, %dma_start3A_65] : memref<10240x32xf32, #tpu.memory_space<vmem_shared>> -> memref<640x32xf32, #tpu.memory_space<vmem_shared>>
      tpu.enqueue_dma source(%dma_start3A_66 : memref<640x32xf32, #tpu.memory_space<vmem_shared>>) target(%dma_start3A_64 : memref<640x32xf32, #tpu.memory_space<hbm>>) target_semaphore(%run_scoped3A : memref<!tpu.dma_semaphore, #tpu.memory_space<semaphore_mem>>)
      %dma_wait3A_67 = arith.constant 0 : i32
      %dma_wait3A_68 = arith.constant 0 : i32
      %dma_wait3A_69 = tpu.memref_slice %arg5[%add3A, %dma_wait3A_67, %dma_wait3A_68] : memref<32x640x32xf32, #tpu.memory_space<hbm>> -> memref<1x640x32xf32, #tpu.memory_space<hbm>>
      %dma_wait3A_70 = tpu.memref_squeeze %dma_wait3A_69 : memref<1x640x32xf32, #tpu.memory_space<hbm>> -> memref<640x32xf32, #tpu.memory_space<hbm>>
      %dma_wait3A_71 = arith.constant 0 : i32
      %dma_wait3A_72 = tpu.memref_slice %arg13[%mul3A_2, %dma_wait3A_71] : memref<10240x32xf32, #tpu.memory_space<vmem_shared>> -> memref<640x32xf32, #tpu.memory_space<vmem_shared>>
      tpu.wait_dma2 semaphore(%run_scoped3A : memref<!tpu.dma_semaphore, #tpu.memory_space<semaphore_mem>>) src(%dma_wait3A_72 : memref<640x32xf32, #tpu.memory_space<vmem_shared>>) dst(%dma_wait3A_70 : memref<640x32xf32, #tpu.memory_space<hbm>>)
      tpu.yield
    }) : () -> ()
    return
  }
}

module attributes {stable_mosaic.version = 14 : i64} {
  func.func @_mm_body(%arg0: i32, %arg1: memref<10000x128xf32, #tpu.memory_space<vmem>>, %arg2: memref<128x64xf32, #tpu.memory_space<vmem>>, %arg3: memref<10000x64xf32, #tpu.memory_space<vmem>>) attributes {dimension_semantics = [#tpu.dimension_semantics<arbitrary>], iteration_bounds = array<i64: 1>, scalar_prefetch = 0 : i64, scratch_operands = 0 : i64, tpu.core_type = #tpu.core_type<tc>, window_params = [{transform_indices = @transform_0, window_bounds = array<i64: 10000, 128>}, {pipeline_mode = #tpu.pipeline_mode<synchronous>, transform_indices = @transform_1, window_bounds = array<i64: 128, 64>}, {transform_indices = @transform_2, window_bounds = array<i64: 10000, 64>}]} {
    %get3A = arith.constant 0 : index
    %get3A_0 = arith.constant 0 : index
    %get3A_1 = vector.load %arg1[%get3A, %get3A_0] : memref<10000x128xf32, #tpu.memory_space<vmem>>, vector<10000x128xf32>
    %get3A_2 = arith.constant 0 : index
    %get3A_3 = arith.constant 0 : index
    %get3A_4 = vector.load %arg2[%get3A_2, %get3A_3] : memref<128x64xf32, #tpu.memory_space<vmem>>, vector<128x64xf32>
    %dot_general3A = arith.constant dense<0.000000e+00> : vector<10000x64xf32>
    %dot_general3A_5 = tpu.matmul %get3A_1, %get3A_4, %dot_general3A {dimension_numbers = #tpu.dot_dimension_numbers<[1], [0], [0], [1], [0, 0, 1, 1], [], []>, transpose_lhs_hint = false} : vector<10000x128xf32>, vector<128x64xf32>, vector<10000x64xf32> -> vector<10000x64xf32>
    %swap3A = arith.constant 0 : index
    %swap3A_6 = arith.constant 0 : index
    %swap3A_7 = vector.load %arg3[%swap3A, %swap3A_6] : memref<10000x64xf32, #tpu.memory_space<vmem>>, vector<10000x64xf32>
    tpu.vector_store %arg3[%swap3A, %swap3A_6], %dot_general3A_5 {strides = array<i32>} : memref<10000x64xf32, #tpu.memory_space<vmem>>, vector<10000x64xf32>,
    return
  }
  func.func @transform_0(%arg0: i32) -> (i32, i32) {
    %c0_i32 = arith.constant 0 : i32
    %c0_i32_0 = arith.constant 0 : i32
    return %arg0, %c0_i32 : i32, i32
  }
  func.func @transform_1(%arg0: i32) -> (i32, i32) {
    %c0_i32 = arith.constant 0 : i32
    %c0_i32_0 = arith.constant 0 : i32
    %c0_i32_1 = arith.constant 0 : i32
    return %c0_i32, %c0_i32_0 : i32, i32
  }
  func.func @transform_2(%arg0: i32) -> (i32, i32) {
    %c0_i32 = arith.constant 0 : i32
    %c0_i32_0 = arith.constant 0 : i32
    return %arg0, %c0_i32 : i32, i32
  }
}

module attributes {stable_mosaic.version = 14 : i64} {
  func.func @_scale_body(%arg0: i32, %arg1: memref<2x10240xf32, #tpu.memory_space<vmem>>, %arg2: memref<10000x64xf32, #tpu.memory_space<vmem>>, %arg3: memref<10000x64xf32, #tpu.memory_space<vmem>>) attributes {dimension_semantics = [#tpu.dimension_semantics<arbitrary>], iteration_bounds = array<i64: 1>, scalar_prefetch = 0 : i64, scratch_operands = 0 : i64, tpu.core_type = #tpu.core_type<tc>, window_params = [{pipeline_mode = #tpu.pipeline_mode<synchronous>, transform_indices = @transform_0, window_bounds = array<i64: 2, 10240>}, {transform_indices = @transform_1, window_bounds = array<i64: 10000, 64>}, {transform_indices = @transform_2, window_bounds = array<i64: 10000, 64>}]} {
    %get3A = arith.constant 0 : index
    %get3A_0 = arith.constant 0 : index
    %get3A_1 = vector.load %arg1[%get3A, %get3A_0] : memref<2x10240xf32, #tpu.memory_space<vmem>>, vector<2x10240xf32>
    %transpose3A = tpu.transpose %get3A_1, [1, 0] : vector<2x10240xf32> -> vector<10240x2xf32>
    %slice3A = vector.extract_strided_slice %transpose3A {offsets = [0, 0], sizes = [10000, 2], strides = [1, 1]} : vector<10240x2xf32> to vector<10000x2xf32>
    %slice3A_2 = vector.extract_strided_slice %slice3A {offsets = [0, 0], sizes = [10000, 1], strides = [1, 1]} : vector<10000x2xf32> to vector<10000x1xf32>
    %slice3A_3 = vector.extract_strided_slice %slice3A {offsets = [0, 1], sizes = [10000, 1], strides = [1, 1]} : vector<10000x2xf32> to vector<10000x1xf32>
    %add3A = arith.addf %slice3A_2, %slice3A_3 : vector<10000x1xf32>
    %add3A_4 = arith.constant 1.000000e+00 : f32
    %add3A_5 = vector.broadcast %add3A_4 : f32 to vector<10000x1xf32>
    %add3A_6 = arith.addf %add3A, %add3A_5 : vector<10000x1xf32>
    %rsqrt3A = math.rsqrt %add3A_6 : vector<10000x1xf32>
    %get3A_7 = arith.constant 0 : index
    %get3A_8 = arith.constant 0 : index
    %get3A_9 = vector.load %arg2[%get3A_7, %get3A_8] : memref<10000x64xf32, #tpu.memory_space<vmem>>, vector<10000x64xf32>
    %mul3A = vector.broadcast %rsqrt3A : vector<10000x1xf32> to vector<10000x64xf32>
    %mul3A_10 = arith.mulf %mul3A, %get3A_9 : vector<10000x64xf32>
    %swap3A = arith.constant 0 : index
    %swap3A_11 = arith.constant 0 : index
    %swap3A_12 = vector.load %arg3[%swap3A, %swap3A_11] : memref<10000x64xf32, #tpu.memory_space<vmem>>, vector<10000x64xf32>
    tpu.vector_store %arg3[%swap3A, %swap3A_11], %mul3A_10 {strides = array<i32>} : memref<10000x64xf32, #tpu.memory_space<vmem>>, vector<10000x64xf32>,
    return
  }
  func.func @transform_0(%arg0: i32) -> (i32, i32) {
    %c0_i32 = arith.constant 0 : i32
    %c0_i32_0 = arith.constant 0 : i32
    %c0_i32_1 = arith.constant 0 : i32
    return %c0_i32, %c0_i32_0 : i32, i32
  }
  func.func @transform_1(%arg0: i32) -> (i32, i32) {
    %c0_i32 = arith.constant 0 : i32
    %c0_i32_0 = arith.constant 0 : i32
    return %arg0, %c0_i32 : i32, i32
  }
  func.func @transform_2(%arg0: i32) -> (i32, i32) {
    %c0_i32 = arith.constant 0 : i32
    %c0_i32_0 = arith.constant 0 : i32
    return %arg0, %c0_i32 : i32, i32
  }
}

module attributes {stable_mosaic.version = 14 : i64} {
  func.func @_mid_body(%arg0: i32, %arg1: memref<2x10240xf32, #tpu.memory_space<vmem>>, %arg2: memref<2x10000x64xf32, #tpu.memory_space<vmem>>, %arg3: memref<10000x64xf32, #tpu.memory_space<vmem>>, %arg4: memref<1x64xf32, #tpu.memory_space<vmem>>, %arg5: memref<64x32xf32, #tpu.memory_space<vmem>>, %arg6: memref<10000x32xf32, #tpu.memory_space<vmem>>) attributes {dimension_semantics = [#tpu.dimension_semantics<arbitrary>], iteration_bounds = array<i64: 1>, scalar_prefetch = 0 : i64, scratch_operands = 0 : i64, tpu.core_type = #tpu.core_type<tc>, window_params = [{pipeline_mode = #tpu.pipeline_mode<synchronous>, transform_indices = @transform_0, window_bounds = array<i64: 2, 10240>}, {transform_indices = @transform_1, window_bounds = array<i64: 2, 10000, 64>}, {transform_indices = @transform_2, window_bounds = array<i64: 10000, 64>}, {pipeline_mode = #tpu.pipeline_mode<synchronous>, transform_indices = @transform_3, window_bounds = array<i64: 1, 64>}, {pipeline_mode = #tpu.pipeline_mode<synchronous>, transform_indices = @transform_4, window_bounds = array<i64: 64, 32>}, {transform_indices = @transform_5, window_bounds = array<i64: 10000, 32>}]} {
    %get3A = arith.constant 0 : index
    %get3A_0 = arith.constant 0 : index
    %get3A_1 = vector.load %arg1[%get3A, %get3A_0] : memref<2x10240xf32, #tpu.memory_space<vmem>>, vector<2x10240xf32>
    %transpose3A = tpu.transpose %get3A_1, [1, 0] : vector<2x10240xf32> -> vector<10240x2xf32>
    %slice3A = vector.extract_strided_slice %transpose3A {offsets = [0, 0], sizes = [10000, 2], strides = [1, 1]} : vector<10240x2xf32> to vector<10000x2xf32>
    %slice3A_2 = vector.extract_strided_slice %slice3A {offsets = [0, 0], sizes = [10000, 1], strides = [1, 1]} : vector<10000x2xf32> to vector<10000x1xf32>
    %slice3A_3 = vector.extract_strided_slice %slice3A {offsets = [0, 1], sizes = [10000, 1], strides = [1, 1]} : vector<10000x2xf32> to vector<10000x1xf32>
    %add3A = arith.addf %slice3A_2, %slice3A_3 : vector<10000x1xf32>
    %add3A_4 = arith.constant 1.000000e+00 : f32
    %add3A_5 = vector.broadcast %add3A_4 : f32 to vector<10000x1xf32>
    %add3A_6 = arith.addf %add3A, %add3A_5 : vector<10000x1xf32>
    %rsqrt3A = math.rsqrt %add3A_6 : vector<10000x1xf32>
    %get3A_7 = arith.constant 0 : index
    %get3A_8 = arith.constant 0 : index
    %get3A_9 = arith.constant 0 : index
    %get3A_10 = vector.load %arg2[%get3A_7, %get3A_8, %get3A_9] : memref<2x10000x64xf32, #tpu.memory_space<vmem>>, vector<1x10000x64xf32>
    %get3A_11 = vector.shape_cast %get3A_10 : vector<1x10000x64xf32> to vector<10000x64xf32>
    %get3A_12 = arith.constant 1 : index
    %get3A_13 = arith.constant 0 : index
    %get3A_14 = arith.constant 0 : index
    %get3A_15 = vector.load %arg2[%get3A_12, %get3A_13, %get3A_14] : memref<2x10000x64xf32, #tpu.memory_space<vmem>>, vector<1x10000x64xf32>
    %get3A_16 = vector.shape_cast %get3A_15 : vector<1x10000x64xf32> to vector<10000x64xf32>
    %add3A_17 = arith.addf %get3A_11, %get3A_16 : vector<10000x64xf32>
    %get3A_18 = arith.constant 0 : index
    %get3A_19 = arith.constant 0 : index
    %get3A_20 = vector.load %arg3[%get3A_18, %get3A_19] : memref<10000x64xf32, #tpu.memory_space<vmem>>, vector<10000x64xf32>
    %add3A_21 = arith.addf %add3A_17, %get3A_20 : vector<10000x64xf32>
    %mul3A = vector.broadcast %rsqrt3A : vector<10000x1xf32> to vector<10000x64xf32>
    %mul3A_22 = arith.mulf %mul3A, %add3A_21 : vector<10000x64xf32>
    %get3A_23 = arith.constant 0 : index
    %get3A_24 = arith.constant 0 : index
    %get3A_25 = vector.load %arg4[%get3A_23, %get3A_24] : memref<1x64xf32, #tpu.memory_space<vmem>>, vector<1x64xf32>
    %add3A_26 = vector.broadcast %get3A_25 : vector<1x64xf32> to vector<10000x64xf32>
    %add3A_27 = arith.addf %mul3A_22, %add3A_26 : vector<10000x64xf32>
    %max3A = arith.constant 0.000000e+00 : f32
    %max3A_28 = vector.broadcast %max3A : f32 to vector<10000x64xf32>
    %max3A_29 = arith.maximumf %add3A_27, %max3A_28 : vector<10000x64xf32>
    %get3A_30 = arith.constant 0 : index
    %get3A_31 = arith.constant 0 : index
    %get3A_32 = vector.load %arg5[%get3A_30, %get3A_31] : memref<64x32xf32, #tpu.memory_space<vmem>>, vector<64x32xf32>
    %dot_general3A = arith.constant dense<0.000000e+00> : vector<10000x32xf32>
    %dot_general3A_33 = tpu.matmul %max3A_29, %get3A_32, %dot_general3A {dimension_numbers = #tpu.dot_dimension_numbers<[1], [0], [0], [1], [0, 0, 1, 1], [], []>, transpose_lhs_hint = false} : vector<10000x64xf32>, vector<64x32xf32>, vector<10000x32xf32> -> vector<10000x32xf32>
    %mul3A_34 = vector.broadcast %rsqrt3A : vector<10000x1xf32> to vector<10000x32xf32>
    %mul3A_35 = arith.mulf %mul3A_34, %dot_general3A_33 : vector<10000x32xf32>
    %swap3A = arith.constant 0 : index
    %swap3A_36 = arith.constant 0 : index
    %swap3A_37 = vector.load %arg6[%swap3A, %swap3A_36] : memref<10000x32xf32, #tpu.memory_space<vmem>>, vector<10000x32xf32>
    tpu.vector_store %arg6[%swap3A, %swap3A_36], %mul3A_35 {strides = array<i32>} : memref<10000x32xf32, #tpu.memory_space<vmem>>, vector<10000x32xf32>,
    return
  }
  func.func @transform_0(%arg0: i32) -> (i32, i32) {
    %c0_i32 = arith.constant 0 : i32
    %c0_i32_0 = arith.constant 0 : i32
    %c0_i32_1 = arith.constant 0 : i32
    return %c0_i32, %c0_i32_0 : i32, i32
  }
  func.func @transform_1(%arg0: i32) -> (i32, i32, i32) {
    %c0_i32 = arith.constant 0 : i32
    %c0_i32_0 = arith.constant 0 : i32
    %c0_i32_1 = arith.constant 0 : i32
    return %c0_i32, %arg0, %c0_i32_0 : i32, i32, i32
  }
  func.func @transform_2(%arg0: i32) -> (i32, i32) {
    %c0_i32 = arith.constant 0 : i32
    %c0_i32_0 = arith.constant 0 : i32
    return %arg0, %c0_i32 : i32, i32
  }
  func.func @transform_3(%arg0: i32) -> (i32, i32) {
    %c0_i32 = arith.constant 0 : i32
    %c0_i32_0 = arith.constant 0 : i32
    %c0_i32_1 = arith.constant 0 : i32
    return %c0_i32, %c0_i32_0 : i32, i32
  }
  func.func @transform_4(%arg0: i32) -> (i32, i32) {
    %c0_i32 = arith.constant 0 : i32
    %c0_i32_0 = arith.constant 0 : i32
    %c0_i32_1 = arith.constant 0 : i32
    return %c0_i32, %c0_i32_0 : i32, i32
  }
  func.func @transform_5(%arg0: i32) -> (i32, i32) {
    %c0_i32 = arith.constant 0 : i32
    %c0_i32_0 = arith.constant 0 : i32
    return %arg0, %c0_i32 : i32, i32
  }
}

module attributes {stable_mosaic.version = 14 : i64} {
  func.func @_post_body(%arg0: i32, %arg1: memref<2x10240xf32, #tpu.memory_space<vmem>>, %arg2: memref<2x10000x32xf32, #tpu.memory_space<vmem>>, %arg3: memref<10000x32xf32, #tpu.memory_space<vmem>>, %arg4: memref<1x32xf32, #tpu.memory_space<vmem>>, %arg5: memref<32x10xf32, #tpu.memory_space<vmem>>, %arg6: memref<1x10xf32, #tpu.memory_space<vmem>>, %arg7: memref<10000x10xf32, #tpu.memory_space<vmem>>) attributes {dimension_semantics = [#tpu.dimension_semantics<arbitrary>], iteration_bounds = array<i64: 1>, scalar_prefetch = 0 : i64, scratch_operands = 0 : i64, tpu.core_type = #tpu.core_type<tc>, window_params = [{pipeline_mode = #tpu.pipeline_mode<synchronous>, transform_indices = @transform_0, window_bounds = array<i64: 2, 10240>}, {transform_indices = @transform_1, window_bounds = array<i64: 2, 10000, 32>}, {transform_indices = @transform_2, window_bounds = array<i64: 10000, 32>}, {pipeline_mode = #tpu.pipeline_mode<synchronous>, transform_indices = @transform_3, window_bounds = array<i64: 1, 32>}, {pipeline_mode = #tpu.pipeline_mode<synchronous>, transform_indices = @transform_4, window_bounds = array<i64: 32, 10>}, {pipeline_mode = #tpu.pipeline_mode<synchronous>, transform_indices = @transform_5, window_bounds = array<i64: 1, 10>}, {transform_indices = @transform_6, window_bounds = array<i64: 10000, 10>}]} {
    %get3A = arith.constant 0 : index
    %get3A_0 = arith.constant 0 : index
    %get3A_1 = vector.load %arg1[%get3A, %get3A_0] : memref<2x10240xf32, #tpu.memory_space<vmem>>, vector<2x10240xf32>
    %transpose3A = tpu.transpose %get3A_1, [1, 0] : vector<2x10240xf32> -> vector<10240x2xf32>
    %slice3A = vector.extract_strided_slice %transpose3A {offsets = [0, 0], sizes = [10000, 2], strides = [1, 1]} : vector<10240x2xf32> to vector<10000x2xf32>
    %slice3A_2 = vector.extract_strided_slice %slice3A {offsets = [0, 0], sizes = [10000, 1], strides = [1, 1]} : vector<10000x2xf32> to vector<10000x1xf32>
    %slice3A_3 = vector.extract_strided_slice %slice3A {offsets = [0, 1], sizes = [10000, 1], strides = [1, 1]} : vector<10000x2xf32> to vector<10000x1xf32>
    %add3A = arith.addf %slice3A_2, %slice3A_3 : vector<10000x1xf32>
    %add3A_4 = arith.constant 1.000000e+00 : f32
    %add3A_5 = vector.broadcast %add3A_4 : f32 to vector<10000x1xf32>
    %add3A_6 = arith.addf %add3A, %add3A_5 : vector<10000x1xf32>
    %rsqrt3A = math.rsqrt %add3A_6 : vector<10000x1xf32>
    %get3A_7 = arith.constant 0 : index
    %get3A_8 = arith.constant 0 : index
    %get3A_9 = arith.constant 0 : index
    %get3A_10 = vector.load %arg2[%get3A_7, %get3A_8, %get3A_9] : memref<2x10000x32xf32, #tpu.memory_space<vmem>>, vector<1x10000x32xf32>
    %get3A_11 = vector.shape_cast %get3A_10 : vector<1x10000x32xf32> to vector<10000x32xf32>
    %get3A_12 = arith.constant 1 : index
    %get3A_13 = arith.constant 0 : index
    %get3A_14 = arith.constant 0 : index
    %get3A_15 = vector.load %arg2[%get3A_12, %get3A_13, %get3A_14] : memref<2x10000x32xf32, #tpu.memory_space<vmem>>, vector<1x10000x32xf32>
    %get3A_16 = vector.shape_cast %get3A_15 : vector<1x10000x32xf32> to vector<10000x32xf32>
    %add3A_17 = arith.addf %get3A_11, %get3A_16 : vector<10000x32xf32>
    %get3A_18 = arith.constant 0 : index
    %get3A_19 = arith.constant 0 : index
    %get3A_20 = vector.load %arg3[%get3A_18, %get3A_19] : memref<10000x32xf32, #tpu.memory_space<vmem>>, vector<10000x32xf32>
    %add3A_21 = arith.addf %add3A_17, %get3A_20 : vector<10000x32xf32>
    %mul3A = vector.broadcast %rsqrt3A : vector<10000x1xf32> to vector<10000x32xf32>
    %mul3A_22 = arith.mulf %mul3A, %add3A_21 : vector<10000x32xf32>
    %get3A_23 = arith.constant 0 : index
    %get3A_24 = arith.constant 0 : index
    %get3A_25 = vector.load %arg4[%get3A_23, %get3A_24] : memref<1x32xf32, #tpu.memory_space<vmem>>, vector<1x32xf32>
    %add3A_26 = vector.broadcast %get3A_25 : vector<1x32xf32> to vector<10000x32xf32>
    %add3A_27 = arith.addf %mul3A_22, %add3A_26 : vector<10000x32xf32>
    %max3A = arith.constant 0.000000e+00 : f32
    %max3A_28 = vector.broadcast %max3A : f32 to vector<10000x32xf32>
    %max3A_29 = arith.maximumf %add3A_27, %max3A_28 : vector<10000x32xf32>
    %get3A_30 = arith.constant 0 : index
    %get3A_31 = arith.constant 0 : index
    %get3A_32 = vector.load %arg5[%get3A_30, %get3A_31] : memref<32x10xf32, #tpu.memory_space<vmem>>, vector<32x10xf32>
    %dot_general3A = arith.constant dense<0.000000e+00> : vector<10000x10xf32>
    %dot_general3A_33 = tpu.matmul %max3A_29, %get3A_32, %dot_general3A {dimension_numbers = #tpu.dot_dimension_numbers<[1], [0], [0], [1], [0, 0, 1, 1], [], []>, transpose_lhs_hint = false} : vector<10000x32xf32>, vector<32x10xf32>, vector<10000x10xf32> -> vector<10000x10xf32>
    %get3A_34 = arith.constant 0 : index
    %get3A_35 = arith.constant 0 : index
    %get3A_36 = vector.load %arg6[%get3A_34, %get3A_35] : memref<1x10xf32, #tpu.memory_space<vmem>>, vector<1x10xf32>
    %add3A_37 = vector.broadcast %get3A_36 : vector<1x10xf32> to vector<10000x10xf32>
    %add3A_38 = arith.addf %dot_general3A_33, %add3A_37 : vector<10000x10xf32>
    %swap3A = arith.constant 0 : index
    %swap3A_39 = arith.constant 0 : index
    %swap3A_40 = vector.load %arg7[%swap3A, %swap3A_39] : memref<10000x10xf32, #tpu.memory_space<vmem>>, vector<10000x10xf32>
    tpu.vector_store %arg7[%swap3A, %swap3A_39], %add3A_38 {strides = array<i32>} : memref<10000x10xf32, #tpu.memory_space<vmem>>, vector<10000x10xf32>,
    return
  }
  func.func @transform_0(%arg0: i32) -> (i32, i32) {
    %c0_i32 = arith.constant 0 : i32
    %c0_i32_0 = arith.constant 0 : i32
    %c0_i32_1 = arith.constant 0 : i32
    return %c0_i32, %c0_i32_0 : i32, i32
  }
  func.func @transform_1(%arg0: i32) -> (i32, i32, i32) {
    %c0_i32 = arith.constant 0 : i32
    %c0_i32_0 = arith.constant 0 : i32
    %c0_i32_1 = arith.constant 0 : i32
    return %c0_i32, %arg0, %c0_i32_0 : i32, i32, i32
  }
  func.func @transform_2(%arg0: i32) -> (i32, i32) {
    %c0_i32 = arith.constant 0 : i32
    %c0_i32_0 = arith.constant 0 : i32
    return %arg0, %c0_i32 : i32, i32
  }
  func.func @transform_3(%arg0: i32) -> (i32, i32) {
    %c0_i32 = arith.constant 0 : i32
    %c0_i32_0 = arith.constant 0 : i32
    %c0_i32_1 = arith.constant 0 : i32
    return %c0_i32, %c0_i32_0 : i32, i32
  }
  func.func @transform_4(%arg0: i32) -> (i32, i32) {
    %c0_i32 = arith.constant 0 : i32
    %c0_i32_0 = arith.constant 0 : i32
    %c0_i32_1 = arith.constant 0 : i32
    return %c0_i32, %c0_i32_0 : i32, i32
  }
  func.func @transform_5(%arg0: i32) -> (i32, i32) {
    %c0_i32 = arith.constant 0 : i32
    %c0_i32_0 = arith.constant 0 : i32
    %c0_i32_1 = arith.constant 0 : i32
    return %c0_i32, %c0_i32_0 : i32, i32
  }
  func.func @transform_6(%arg0: i32) -> (i32, i32) {
    %c0_i32 = arith.constant 0 : i32
    %c0_i32_0 = arith.constant 0 : i32
    return %arg0, %c0_i32 : i32, i32
  }
}

</mosaic_0001>

<sc_bundles>
// kernel: kernel.12.cloned.1.call-start
scs
__scs_entry_jumppad:
0x0: {  	(pc) =	sbr.rel $0x88, $3  }
0x1: {  	(tag) =	ssettag $0x0;
	lr =	simm.s32 $0x1  }
0x2: {  	[smem:$0x3F99] =	sst lr;
	_ =	strace $0xD0000000  }
0x3: {  	_ = 	snop  }
0x4: {  	_ = 	snop  }
0x5: {  	_ = 	snop  }
0x6: {  	_ = 	snop  }
0x7: {  	_ = 	snop  }
__scs_overlays_trampoline_lowered:
0x8: {  	[smem:$0x3FA8] =	sst s0  }
0x9: {  	[smem:$0x3FA9] =	sst s1  }
0xa: {  	[smem:$0x3FAA] =	sst s2  }
0xb: {  	[smem:$0x3FAB] =	sst s3  }
0xc: {  	[smem:$0x3FAC] =	sst s4  }
0xd: {  	[smem:$0x3FAD] =	sst s5  }
0xe: {  	[smem:$0x3FAE] =	sst s6  }
0xf: {  	[smem:$0x3FAF] =	sst s7  }
0x10: {  	[smem:$0x3FB0] =	sst s8  }
0x11: {  	[smem:$0x3FB1] =	sst s9;
	s0 =	simm.s32 @!p0 $0x0  }
0x12: {  	s1 =	sld [smem:$0x3F97];
	s0 =	simm.s32 @p0 $0x1  }
0x13: {  	[smem:$0x3FB2] =	sst s0;
	s0 =	simm.s32 @!p1 $0x0  }
0x14: {  	s2 =	sld [smem:$0x3F96];
	s0 =	simm.s32 @p1 $0x1  }
0x15: {  	[smem:$0x3FB3] =	sst s0;
	s0 =	simm.s32 @!p2 $0x0  }
0x16: {  	s3 =	sld [smem:$0x3FDB];
	s0 =	simm.s32 @p2 $0x1  }
0x17: {  	s4 =	simm.s32 $0x1BF5;
	[smem:$0x3FB5] =	sst s0  }
0x18: {  	s0 =	sld [smem:$0x3F98];
	_ =	swait.ge [sflag:s4], $0x0  }
0x19: {  	s7 =	sld [smem:$0x3F99]  }
0x1a: {  	s8 =	sadd.s32 $0xFFFFE003, lr  }
0x1b: {  	s9 =	sadd.s32 $0xFFFFFEF7, lr;
	s5 =	simm.s32 $0xFFFFFFFF;
	p2 =	slt.u32 s8, $0xFFFFF086  }
0x1c: {  	p1 =	slt.u32 s9, $0xF7A;
	s5 =	simm.s32 @!p2 $0x0  }
0x1d: {  	s5 =	simm.s32 @p1 $0x1;
	p0 =	seq.s32 s7, s2  }
0x1e: {  	s7 =	smul.u32 @!p0 $0xF7A, s2;
	p2 =	seq.s32 @!p0 s5, $0x0  }
0x1f: {  	s9 =	smul.u32 $0xF7A, s1;
	s8 =	simm.s32 @!p0 $0x1BF5;
	p2 =	por !p2, p0  }
0x20: {  	[sflag:s8] =	ssyncset.s32 @!p0 $0xFFFFF086;
	s6 =	sadd.s32 @!p0 s3, s7;
	s7 =	simm.s32 @!p0 $0x108  }
0x21: {  	s3 =	sadd.s32 s3, s9;
	s6 =	sadd.s32 @!p0 $0x88, s6;
	s7 =	simm.s32 @p2 $0x1082  }
0x22: {  	[simem:s7], [sflag:s8] =	dma.local @!p0 [hbm:s6], $0xF7A  }
0x23: {  	s9 =	sor.u32 $0xD0000000, s2;
	s6 =	simm.s32 $0x108;
	_ =	swait.ge @!p0 [sflag:s8], $0x0  }
0x24: {  	s3 =	sadd.s32 $0x88, s3;
	s6 =	simm.s32 @!p1 $0x1082;
	[sflag:s4] =	ssyncset.s32 $0xFFFFF086  }
0x25: {  	[simem:s6], [sflag:s4] =	dma.local [hbm:s3], $0xF7A  }
0x26: {  	[smem:$0x3F99] =	sst s1;
	(tag) =	ssettag s2;
	_ =	strace s9  }
0x27: {  	s1 =	sld [smem:$0x3FA9]  }
0x28: {  	s2 =	sld [smem:$0x3FAA]  }
0x29: {  	s4 =	sld [smem:$0x3FAC]  }
0x2a: {  	p0 =	seq.s32 s5, $0x0;
	s5 =	sld [smem:$0x3FAD]  }
0x2b: {  	s6 =	sld [smem:$0x3FAE]  }
0x2c: {  	s7 =	sld [smem:$0x3FAF]  }
0x2d: {  	s3 =	simm.s32 $0x108;
	s8 =	sld [smem:$0x3FB0]  }
0x2e: {  	s3 =	simm.s32 @!p0 $0x1082;
	s9 =	sld [smem:$0x3FB1]  }
0x2f: {  	lr =	sadd.s32 s0, s3;
	s0 =	sld [smem:$0x3FA8]  }
0x30: {  	s3 =	sld [smem:$0x3FAB]  }
0x31: {  	[smem:$0x3FB4] =	sst s10  }
0x32: {  	s10 =	sld [smem:$0x3FB2];
	_ =	sdelay $0x3  }
0x33: {  	p0 =	seq.s32 s10, $0x1;
	s10 =	sld [smem:$0x3FB4];
	_ =	sdelay $0x3  }
0x34: {  	[smem:$0x3FB4] =	sst s10  }
0x35: {  	s10 =	sld [smem:$0x3FB3];
	_ =	sdelay $0x3  }
0x36: {  	p1 =	seq.s32 s10, $0x1;
	s10 =	sld [smem:$0x3FB4];
	_ =	sdelay $0x3  }
0x37: {  	[smem:$0x3FB4] =	sst s10  }
0x38: {  	s10 =	sld [smem:$0x3FB5]  }
0x39: {  	_ = 	snop;
	(pc) =	sbr.ind lr, $3  }
0x3a: {  	_ = 	snop  }
0x3b: {  	_ = 	snop  }
0x3c: {  	p2 =	seq.s32 s10, $0x1;
	s10 =	sld [smem:$0x3FB4]  }
0x3d: {  	_ =	shalt  }
0x3e: {  	_ =	shalt  }
0x3f: {  	_ =	shalt  }
0x40: {  	_ =	shalt  }
0x41: {  	_ =	shalt  }
0x42: {  	_ =	shalt  }
0x43: {  	_ =	shalt  }
0x44: {  	_ =	shalt  }
0x45: {  	_ =	shalt  }
0x46: {  	_ =	shalt  }
0x47: {  	_ =	shalt  }
0x48: {  	_ =	shalt  }
0x49: {  	_ =	shalt  }
0x4a: {  	_ =	shalt  }
0x4b: {  	_ =	shalt  }
0x4c: {  	_ =	shalt  }
0x4d: {  	_ =	shalt  }
0x4e: {  	_ =	shalt  }
0x4f: {  	_ =	shalt  }
0x50: {  	_ =	shalt  }
0x51: {  	_ =	shalt  }
0x52: {  	_ =	shalt  }
0x53: {  	_ =	shalt  }
0x54: {  	_ =	shalt  }
0x55: {  	_ =	shalt  }
0x56: {  	_ =	shalt  }
0x57: {  	_ =	shalt  }
0x58: {  	_ =	shalt  }
0x59: {  	_ =	shalt  }
0x5a: {  	_ =	shalt  }
0x5b: {  	_ =	shalt  }
0x5c: {  	_ =	shalt  }
0x5d: {  	_ =	shalt  }
0x5e: {  	_ =	shalt  }
0x5f: {  	_ =	shalt  }
0x60: {  	_ =	shalt  }
0x61: {  	_ =	shalt  }
0x62: {  	_ =	shalt  }
0x63: {  	_ =	shalt  }
0x64: {  	_ =	shalt  }
0x65: {  	_ =	shalt  }
0x66: {  	_ =	shalt  }
0x67: {  	_ =	shalt  }
0x68: {  	_ =	shalt  }
0x69: {  	_ =	shalt  }
0x6a: {  	_ =	shalt  }
0x6b: {  	_ =	shalt  }
0x6c: {  	_ =	shalt  }
0x6d: {  	_ =	shalt  }
0x6e: {  	_ =	shalt  }
0x6f: {  	_ =	shalt  }
0x70: {  	_ =	shalt  }
0x71: {  	_ =	shalt  }
0x72: {  	_ =	shalt  }
0x73: {  	_ =	shalt  }
0x74: {  	_ =	shalt  }
0x75: {  	_ =	shalt  }
0x76: {  	_ =	shalt  }
0x77: {  	_ =	shalt  }
0x78: {  	_ =	shalt  }
0x79: {  	_ =	shalt  }
0x7a: {  	_ =	shalt  }
0x7b: {  	_ =	shalt  }
0x7c: {  	_ =	shalt  }
0x7d: {  	_ =	shalt  }
0x7e: {  	_ =	shalt  }
0x7f: {  	_ =	shalt  }
0x80: {  	_ =	shalt  }
0x81: {  	_ =	shalt  }
0x82: {  	_ =	shalt  }
0x83: {  	_ =	shalt  }
0x84: {  	_ =	shalt  }
0x85: {  	_ =	shalt  }
0x86: {  	_ =	shalt  }
0x87: {  	_ =	shalt  }
.Lfunc_end0:
.L_simem_size_0:
called_computation.1_lowered:
.L_overlay_start_0:
0x88: {  	s2 =	sld [smem:$0x3FD9]  }
0x89: {  	s3 =	sld [smem:$0x3FFE];
	_ =	sdelay $0x1  }
0x8a: {  	s1 =	srdreg.scid  }
0x8b: {  	s0 =	sand.u32 $0x1, s1  }
0x8c: {  	s16 =	sshll.u32 s0, $0xA;
	s2 =	sadd.s32 s3, s2  }
0x8d: {  	s2 =	sadd.s32 s2, s16  }
0x8e: {  	[smem:$0x3FC0] =	sst s2  }
0x8f: {  	_ = 	snop  }
0x90: {  	(tm) =	ssettm $0x1  }
0x91: {  	s17 =	sld [smem:$0x3FFB];
	_ =	sdelay $0x3  }
0x92: {  	_ =	strace s17  }
0x93: {  	s2 =	sld [smem:$0x3FFC];
	_ =	sdelay $0x3  }
0x94: {  	_ =	strace s2  }
0x95: {  	s2 =	sld [smem:$0x3FFD];
	_ =	sdelay $0x3  }
0x96: {  	_ =	strace s2  }
0x97: {  	_ =	strace $0x8FFFFFFF  }
0x98: {  	s18 =	sld [smem:$0x3FDB];
	_ =	sdelay $0x1  }
0x99: {  	s19 =	simm.s32 $_scs_section_size  }
0x9a: {  	s4 =	simm.s32 $_size__tile_overlayer_lowered;
	s5 =	simm.s32 $_tile_overlayer_lowered  }
0x9b: {  	s22 =	simm.s32 $0x1BFF;
	s21 =	sshll.u32 s5, $0x1;
	s2 =	sadd.s32 s19, s18  }
0x9c: {  	s6 =	simm.s32 $0x0;
	s20 =	sshll.u32 s4, $0x1;
	s4 =	sadd.s32 s21, s2  }
0x9d: {  	[timem:s6], [sflag:s22] =	dma.local [hbm:s4], s20  }
0x9e: {  	_ =	swait.ge [sflag:s22], s20  }
0x9f: {  	s3 =	ssub.s32 $0x0, s20;
	[sflag:s22] =	ssyncset.done $0x0  }
0xa0: {  	[sflag:s22] =	ssyncadd.s32 s3;
	_ =	sdelay $0x1  }
0xa1: {  	s23 =	simm.s32 $0x1B8B  }
0xa2: {  	_ =	swait.ge [sflag:s23], $0x1  }
0xa3: {  	[sflag:s23] =	ssyncset.done $0x0  }
0xa4: {  	s25 =	simm.s32 $0x1B8E;
	s24 =	sld [smem:$0x3FFE];
	[sflag:s23] =	ssyncadd.s32 $0xFFFFFFFF  }
0xa5: {  	s26 =	simm.s32 $execute0_lowered;
	[smem:$0x3FD2] =	sst s25  }
0xa6: {  	s4 =	sshll.u32 s26, $0x1;
	_ =	strace $0x80000049;
	[dreg:$0x1] =	wrdreg $0xFFFFFFFF  }
0xa7: {  	s28 =	simm.s32 $_size_execute0_lowered;
	s2 =	sadd.s32 s2, s4;
	[dreg:$0x0] =	wrdreg $0x0  }
0xa8: {  	s4 =	sshll.u32 s28, $0x1;
	[dreg:$0x2] =	wrdreg s2  }
0xa9: {  	[dreg:$0x3] =	wrdreg s4  }
0xaa: {  	[dreg:$0x4] =	wrdreg $0xC0  }
0xab: {  	_ =	task [dreg:s6], $0x5FFFF  }
0xac: {  	[dreg:$0x1] =	wrdreg $0xFFFFFFFF  }
0xad: {  	[dreg:$0x0] =	wrdreg $0x60  }
0xae: {  	[dreg:$0x2] =	wrdreg s24  }
0xaf: {  	[dreg:$0x3] =	wrdreg $0x148200  }
0xb0: {  	[dreg:$0x4] =	wrdreg $0x9  }
0xb1: {  	_ =	task.clear_ibuf [dreg:s6], $0x5FFFF;
	_ =	strace $0x90000049  }
0xb2: {  	s29 =	simm.s32 $0x9;
	_ =	strace $0x8000004B  }
0xb3: {  	_ =	swait.ge [sflag:s29], $0x1  }
0xb4: {  	[sflag:s29] =	ssyncadd.s32 $0xFFFFFFFF  }
0xb5: {  	_ =	strace $0x9000004B  }
0xb6: {  	_ =	sfence  }
0xb7: {  	s30 =	sld [smem:$0x0];
	_ =	sdelay $0x2  }
0xb8: {  	s31 =	sshll.u32 s1, $0xD;
	s1 =	sshrl.u32 s1, $0x2  }
0xb9: {  	s3 =	sand.u32 $0x4000, s31;
	s1 =	sadd.s32 s1, s30  }
0xba: {  	s0 =	sor.u32 s3, s0;
	s1 =	sshll.u32 s1, $0x11  }
0xbb: {  	s0 =	sor.u32 s1, s0  }
0xbc: {  	s0 =	sadd.s32 $0x8F2B, s0  }
0xbd: {  	[sflag:s0] =	ssyncadd.remote.s32 $0x1  }
0xbe: {  	_ =	sfence.sel $0xFFFF  }
0xbf: {  	[dreg:$0x0] =	wrdreg $0xFFFFFFFF;
	(pc) =	sbr.abs _section_cstart, $3  }
0xc0: {  	[dreg:$0x1] =	wrdreg $0xFFFFFFFF  }
0xc1: {  	_ =	task.clear_ibuf [dreg:s6], $0x2FFFF;
	_ =	strace $0x9FFFFFFF  }
0xc2: {  	(tm) =	ssettm $0x7FFFFFFF  }
0xc3: {  	_ =	shalt  }
tec
execute0_lowered:
.L_overlay_start_1:
0x0: {  	(tag) =	ssettag $0x1  }
0x1: {  	s0 =	srdreg.scid;
	s5 =	rddreg [dreg:$0x0]  }
0x2: {  	s10 =	stileid.u32;
	s2 =	rddreg [dreg:$0x1]  }
0x3: {  	s3 =	simm.s32 $0x0;
	s12 =	simm.s32 $0x7;
	s13 =	simm.s32 $0x2710  }
0x4: {  	s14 =	simm.s32 $0x6;
	s15 =	simm.s32 $0xC8;
	s16 =	simm.s32 $0x4E20  }
0x5: {  	s17 =	simm.s32 $0x8020;
	s19 =	simm.s32 $0xB220;
	s21 =	simm.s32 $0xE420  }
0x6: {  	s23 =	simm.s32 $0x11620;
	s24 =	simm.s32 $0x1;
	s25 =	simm.s32 $0x2  }
0x7: {  	s28 =	simm.s32 $0x3;
	s29 =	simm.s32 $0x28A0;
	s30 =	simm.s32 $0x4  }
0x8: {  	s31 =	simm.s32 $0x2968;
	s18 =	simm.s32 $0x0;
	s0 =	sand.u32 $0x1, s0  }
0x9: {  	[smem:$0x7FF] =	sst s3;
	s6 =	smul.u32 $0xA000, s10;
	s26 =	sshll.u32 s10, $0x6  }
0xa: {  	s1 =	sshll.u32 s0, $0x4;
	_ =	strace $0x8000004A;
	s0 =	ssub.s32 $0x2, s0  }
0xb: {  	s1 =	sor.u32 s10, s1;
	s7 =	sshrl.u32 s6, $0x3;
	s9 =	sshrl.u32 s0, $0x1  }
0xc: {  	s11 =	sadd.s32 s6, s2;
	s6 =	sor.u32 $0x1C07, s26;
	s4 =	smul.u32 $0x2710, s1  }
0xd: {  	s1 =	smul.u32 $0x1400, s1;
	s7 =	sadd.s32 s7, s5;
	s0 =	ssub.s32 s0, s9  }
0xe: {  	s11 =	sshrl.u32 s11, $0x3;
	s10 =	smax.u32 s0, $0x1;
	s4 =	sshrl.u32 s4, $0x3  }
0xf: {  	s0 =	simm.s32 $0x2A30;
	s1 =	sadd.s32 s1, s5;
	s8 =	sadd.s32 s4, s5  }
0x10: {  	s4 =	sadd.s32 $0x15A00, s5;
	s5 =	sadd.s32 $0x29400, s7;
	s9 =	sadd.s32 $0x3D400, s1  }
0x11: {  	s1 =	simm.s32 $0x5;
	s7 =	sadd.s32 $0x2000, s8;
	s8 =	sadd.s32 $0xBC40, s8  }
.LBB2_1:
0x12: {  	[spmem:s11], [sflag:s6] =	dma.local [hbm:s5], $0x1400  }
0x13: {  	_ =	swait.ge [sflag:s12], $0x1400  }
0x14: {  	[sflag:s12] =	ssyncset.done $0x0  }
0x15: {  	[sflag:s12] =	ssyncadd.s32 $0xFFFFEC00  }
0x16: {  	[tilespmem:s3], [sflag:$0x6] =	stream.linear.gather [hbm4b:s7+s3], $0x2710, $0x38;
	[tilespmem:$0x1E820] =	vst v63  }
0x17: {  	_ = 	snop  }
0x18: {  	[tilespmem:s13], [sflag:$0x6] =	stream.linear.gather [hbm4b:s8+s3], $0x2710, $0x38;
	[tilespmem:$0x1E820] =	vst v63  }
0x19: {  	_ =	swait.ge [sflag:s14], $0x2710  }
0x1a: {  	[sflag:s14] =	ssyncset.done $0x0  }
0x1b: {  	[sflag:s14] =	ssyncadd.s32 $0xFFFFD8F0  }
0x1c: {  	_ =	swait.ge [sflag:s14], $0x2710  }
0x1d: {  	[sflag:s14] =	ssyncset.done $0x0  }
0x1e: {  	[sflag:s14] =	ssyncadd.s32 $0xFFFFD8F0  }
0x1f: {  	[bflag:$0x0] =	sbarrier.arrive $0xFFFF  }
0x20: {  	[tilespmem:s16], [sflag:$0x1] =	stream.indirect.gather [hbm4b:s4+s15], $0x40, s3, s15, $0xb8;
	[tilespmem:$0x1E820] =	vst v63  }
0x21: {  	_ = 	snop  }
0x22: {  	[tilespmem:s17], [sflag:$0x2] =	stream.indirect.gather [hbm4b:s4+s15], $0x40, s15, s15, $0xb8;
	[tilespmem:$0x1E820] =	vst v63  }
0x23: {  	s20 =	simm.s32 $0x190  }
0x24: {  	[tilespmem:s19], [sflag:$0x3] =	stream.indirect.gather [hbm4b:s4+s15], $0x40, s20, s15, $0xb8;
	[tilespmem:$0x1E820] =	vst v63  }
0x25: {  	s22 =	simm.s32 $0x258  }
0x26: {  	[tilespmem:s21], [sflag:$0x4] =	stream.indirect.gather [hbm4b:s4+s15], $0x40, s22, s15, $0xb8;
	[tilespmem:$0x1E820] =	vst v63  }
0x27: {  	s26 =	simm.s32 $0x320  }
0x28: {  	[tilespmem:s23], [sflag:$0x5] =	stream.indirect.gather [hbm4b:s4+s15], $0x40, s26, s15, $0xb8;
	[tilespmem:$0x1E820] =	vst v63  }
0x29: {  	_ =	swait.ge [sflag:s24], $0x3200  }
0x2a: {  	[sflag:s24] =	ssyncset.done $0x0  }
0x2b: {  	[sflag:s24] =	ssyncadd.s32 $0xFFFFCE00  }
0x2c: {  	[spmem:s2] =	stream.indirect.scatter.add.f32 [tilespmem:s16], [sflag:$0x6], $0x40, s13, s15, $0xb8;
	[tilespmem:$0x1E820] =	vst v63  }
0x2d: {  	_ =	swait.ge [sflag:s25], $0x3200  }
0x2e: {  	[sflag:s25] =	ssyncset.done $0x0  }
0x2f: {  	s22 =	simm.s32 $0x27D8;
	[sflag:s25] =	ssyncadd.s32 $0xFFFFCE00  }
0x30: {  	[spmem:s2] =	stream.indirect.scatter.add.f32 [tilespmem:s17], [sflag:$0x6], $0x40, s22, s15, $0xb8;
	[tilespmem:$0x1E820] =	vst v63  }
0x31: {  	_ =	swait.ge [sflag:s28], $0x3200  }
0x32: {  	[sflag:s28] =	ssyncset.done $0x0  }
0x33: {  	[sflag:s28] =	ssyncadd.s32 $0xFFFFCE00  }
0x34: {  	[spmem:s2] =	stream.indirect.scatter.add.f32 [tilespmem:s19], [sflag:$0x6], $0x40, s29, s15, $0xb8;
	[tilespmem:$0x1E820] =	vst v63  }
0x35: {  	_ =	swait.ge [sflag:s30], $0x3200  }
0x36: {  	[sflag:s30] =	ssyncset.done $0x0  }
0x37: {  	[sflag:s30] =	ssyncadd.s32 $0xFFFFCE00  }
0x38: {  	[spmem:s2] =	stream.indirect.scatter.add.f32 [tilespmem:s21], [sflag:$0x6], $0x40, s31, s15, $0xb8;
	[tilespmem:$0x1E820] =	vst v63  }
0x39: {  	_ =	swait.ge [sflag:s1], $0x3200  }
0x3a: {  	[sflag:s1] =	ssyncset.done $0x0  }
0x3b: {  	[sflag:s1] =	ssyncadd.s32 $0xFFFFCE00  }
0x3c: {  	[spmem:s2] =	stream.indirect.scatter.add.f32 [tilespmem:s23], [sflag:$0x6], $0x40, s0, s15, $0xb8;
	[tilespmem:$0x1E820] =	vst v63  }
0x3d: {  	_ =	swait.ge [sflag:s14], $0x3200  }
0x3e: {  	[sflag:s14] =	ssyncset.done $0x0  }
0x3f: {  	[sflag:s14] =	ssyncadd.s32 $0xFFFFCE00  }
0x40: {  	_ =	swait.ge [sflag:s14], $0x3200  }
0x41: {  	[sflag:s14] =	ssyncset.done $0x0  }
0x42: {  	[sflag:s14] =	ssyncadd.s32 $0xFFFFCE00  }
0x43: {  	_ =	swait.ge [sflag:s14], $0x3200  }
0x44: {  	[sflag:s14] =	ssyncset.done $0x0  }
0x45: {  	[sflag:s14] =	ssyncadd.s32 $0xFFFFCE00  }
0x46: {  	_ =	swait.ge [sflag:s14], $0x3200  }
0x47: {  	[sflag:s14] =	ssyncset.done $0x0  }
0x48: {  	[sflag:s14] =	ssyncadd.s32 $0xFFFFCE00  }
0x49: {  	_ =	swait.ge [sflag:s14], $0x3200  }
0x4a: {  	[sflag:s14] =	ssyncset.done $0x0  }
0x4b: {  	s26 =	simm.s32 $0x3E8;
	[sflag:s14] =	ssyncadd.s32 $0xFFFFCE00  }
0x4c: {  	[tilespmem:s16], [sflag:$0x1] =	stream.indirect.gather [hbm4b:s4+s15], $0x40, s26, s15, $0xb8;
	[tilespmem:$0x1E820] =	vst v63  }
0x4d: {  	s22 =	simm.s32 $0x4B0  }
0x4e: {  	[tilespmem:s17], [sflag:$0x2] =	stream.indirect.gather [hbm4b:s4+s15], $0x40, s22, s15, $0xb8;
	[tilespmem:$0x1E820] =	vst v63  }
0x4f: {  	s26 =	simm.s32 $0x578  }
0x50: {  	[tilespmem:s19], [sflag:$0x3] =	stream.indirect.gather [hbm4b:s4+s15], $0x40, s26, s15, $0xb8;
	[tilespmem:$0x1E820] =	vst v63  }
0x51: {  	s22 =	simm.s32 $0x640  }
0x52: {  	[tilespmem:s21], [sflag:$0x4] =	stream.indirect.gather [hbm4b:s4+s15], $0x40, s22, s15, $0xb8;
	[tilespmem:$0x1E820] =	vst v63  }
0x53: {  	s26 =	simm.s32 $0x708  }
0x54: {  	[tilespmem:s23], [sflag:$0x5] =	stream.indirect.gather [hbm4b:s4+s15], $0x40, s26, s15, $0xb8;
	[tilespmem:$0x1E820] =	vst v63  }
0x55: {  	_ =	swait.ge [sflag:s24], $0x3200  }
0x56: {  	[sflag:s24] =	ssyncset.done $0x0  }
0x57: {  	s22 =	simm.s32 $0x2AF8;
	[sflag:s24] =	ssyncadd.s32 $0xFFFFCE00  }
0x58: {  	[spmem:s2] =	stream.indirect.scatter.add.f32 [tilespmem:s16], [sflag:$0x6], $0x40, s22, s15, $0xb8;
	[tilespmem:$0x1E820] =	vst v63  }
0x59: {  	_ =	swait.ge [sflag:s25], $0x3200  }
0x5a: {  	[sflag:s25] =	ssyncset.done $0x0  }
0x5b: {  	s26 =	simm.s32 $0x2BC0;
	[sflag:s25] =	ssyncadd.s32 $0xFFFFCE00  }
0x5c: {  	[spmem:s2] =	stream.indirect.scatter.add.f32 [tilespmem:s17], [sflag:$0x6], $0x40, s26, s15, $0xb8;
	[tilespmem:$0x1E820] =	vst v63  }
0x5d: {  	_ =	swait.ge [sflag:s28], $0x3200  }
0x5e: {  	[sflag:s28] =	ssyncset.done $0x0  }
0x5f: {  	s22 =	simm.s32 $0x2C88;
	[sflag:s28] =	ssyncadd.s32 $0xFFFFCE00  }
0x60: {  	[spmem:s2] =	stream.indirect.scatter.add.f32 [tilespmem:s19], [sflag:$0x6], $0x40, s22, s15, $0xb8;
	[tilespmem:$0x1E820] =	vst v63  }
0x61: {  	_ =	swait.ge [sflag:s30], $0x3200  }
0x62: {  	[sflag:s30] =	ssyncset.done $0x0  }
0x63: {  	s26 =	simm.s32 $0x2D50;
	[sflag:s30] =	ssyncadd.s32 $0xFFFFCE00  }
0x64: {  	[spmem:s2] =	stream.indirect.scatter.add.f32 [tilespmem:s21], [sflag:$0x6], $0x40, s26, s15, $0xb8;
	[tilespmem:$0x1E820] =	vst v63  }
0x65: {  	_ =	swait.ge [sflag:s1], $0x3200  }
0x66: {  	[sflag:s1] =	ssyncset.done $0x0  }
0x67: {  	s20 =	simm.s32 $0xFA0;
	s22 =	simm.s32 $0x2E18;
	[sflag:s1] =	ssyncadd.s32 $0xFFFFCE00  }
.LBB2_2:
0x68: {  	[spmem:s2] =	stream.indirect.scatter.add.f32 [tilespmem:s23], [sflag:$0x6], $0x40, s22, s15, $0xb8;
	[tilespmem:$0x1E820] =	vst v63  }
0x69: {  	s22 =	smov.u32 s20  }
0x6a: {  	p0 =	sne.s32 s20, $0x7D00;
	s20 =	sadd.s32 $0xFA0, s20;
	_ =	swait.ge [sflag:s14], $0x3200  }
0x6b: {  	[sflag:s14] =	ssyncset.done $0x0  }
0x6c: {  	[sflag:s14] =	ssyncadd.s32 $0xFFFFCE00  }
0x6d: {  	_ =	swait.ge [sflag:s14], $0x3200  }
0x6e: {  	[sflag:s14] =	ssyncset.done $0x0  }
0x6f: {  	[sflag:s14] =	ssyncadd.s32 $0xFFFFCE00  }
0x70: {  	_ =	swait.ge [sflag:s14], $0x3200  }
0x71: {  	[sflag:s14] =	ssyncset.done $0x0  }
0x72: {  	[sflag:s14] =	ssyncadd.s32 $0xFFFFCE00  }
0x73: {  	_ =	swait.ge [sflag:s14], $0x3200  }
0x74: {  	[sflag:s14] =	ssyncset.done $0x0  }
0x75: {  	[sflag:s14] =	ssyncadd.s32 $0xFFFFCE00  }
0x76: {  	_ =	swait.ge [sflag:s14], $0x3200  }
0x77: {  	s22 =	sshra.s32 s22, $0x2;
	[sflag:s14] =	ssyncset.done $0x0  }
0x78: {  	s26 =	sadd.s32 $0x3E8, s22;
	[sflag:s14] =	ssyncadd.s32 $0xFFFFCE00  }
0x79: {  	[tilespmem:s16], [sflag:$0x1] =	stream.indirect.gather [hbm4b:s4+s15], $0x40, s26, s15, $0xb8;
	[tilespmem:$0x1E820] =	vst v63  }
0x7a: {  	s26 =	sadd.s32 $0x4B0, s22  }
0x7b: {  	[tilespmem:s17], [sflag:$0x2] =	stream.indirect.gather [hbm4b:s4+s15], $0x40, s26, s15, $0xb8;
	[tilespmem:$0x1E820] =	vst v63  }
0x7c: {  	s26 =	sadd.s32 $0x578, s22  }
0x7d: {  	[tilespmem:s19], [sflag:$0x3] =	stream.indirect.gather [hbm4b:s4+s15], $0x40, s26, s15, $0xb8;
	[tilespmem:$0x1E820] =	vst v63  }
0x7e: {  	s26 =	sadd.s32 $0x640, s22  }
0x7f: {  	[tilespmem:s21], [sflag:$0x4] =	stream.indirect.gather [hbm4b:s4+s15], $0x40, s26, s15, $0xb8;
	[tilespmem:$0x1E820] =	vst v63  }
0x80: {  	s26 =	sadd.s32 $0x708, s22  }
0x81: {  	[tilespmem:s23], [sflag:$0x5] =	stream.indirect.gather [hbm4b:s4+s15], $0x40, s26, s15, $0xb8;
	[tilespmem:$0x1E820] =	vst v63  }
0x82: {  	_ =	swait.ge [sflag:s24], $0x3200  }
0x83: {  	[sflag:s24] =	ssyncset.done $0x0  }
0x84: {  	s26 =	sadd.s32 $0x2AF8, s22;
	[sflag:s24] =	ssyncadd.s32 $0xFFFFCE00  }
0x85: {  	[spmem:s2] =	stream.indirect.scatter.add.f32 [tilespmem:s16], [sflag:$0x6], $0x40, s26, s15, $0xb8;
	[tilespmem:$0x1E820] =	vst v63  }
0x86: {  	_ =	swait.ge [sflag:s25], $0x3200  }
0x87: {  	[sflag:s25] =	ssyncset.done $0x0  }
0x88: {  	s26 =	sadd.s32 $0x2BC0, s22;
	[sflag:s25] =	ssyncadd.s32 $0xFFFFCE00  }
0x89: {  	[spmem:s2] =	stream.indirect.scatter.add.f32 [tilespmem:s17], [sflag:$0x6], $0x40, s26, s15, $0xb8;
	[tilespmem:$0x1E820] =	vst v63  }
0x8a: {  	_ =	swait.ge [sflag:s28], $0x3200  }
0x8b: {  	[sflag:s28] =	ssyncset.done $0x0  }
0x8c: {  	s26 =	sadd.s32 $0x2C88, s22;
	[sflag:s28] =	ssyncadd.s32 $0xFFFFCE00  }
0x8d: {  	[spmem:s2] =	stream.indirect.scatter.add.f32 [tilespmem:s19], [sflag:$0x6], $0x40, s26, s15, $0xb8;
	[tilespmem:$0x1E820] =	vst v63  }
0x8e: {  	_ =	swait.ge [sflag:s30], $0x3200  }
0x8f: {  	[sflag:s30] =	ssyncset.done $0x0  }
.Ltmp0:
0x90: {  	s26 =	sadd.s32 $0x2D50, s22;
	[sflag:s30] =	ssyncadd.s32 $0xFFFFCE00;
	(pc) =	sbr.rel @p0 .LBB2_2-.Ltmp0, $4  }
0x91: {  	[spmem:s2] =	stream.indirect.scatter.add.f32 [tilespmem:s21], [sflag:$0x6], $0x40, s26, s15, $0xb8;
	[tilespmem:$0x1E820] =	vst v63  }
0x92: {  	_ =	swait.ge [sflag:s1], $0x3200  }
0x93: {  	[sflag:s1] =	ssyncset.done $0x0  }
0x94: {  	s22 =	sadd.s32 $0x2E18, s22;
	[sflag:s1] =	ssyncadd.s32 $0xFFFFCE00  }
0x95: {  	[spmem:s2] =	stream.indirect.scatter.add.f32 [tilespmem:s23], [sflag:$0x6], $0x40, s22, s15, $0xb8;
	[tilespmem:$0x1E820] =	vst v63  }
0x96: {  	_ =	swait.ge [sflag:s14], $0x3200  }
0x97: {  	[sflag:s14] =	ssyncset.done $0x0  }
0x98: {  	[sflag:s14] =	ssyncadd.s32 $0xFFFFCE00  }
0x99: {  	_ =	swait.ge [sflag:s14], $0x3200  }
0x9a: {  	[sflag:s14] =	ssyncset.done $0x0  }
0x9b: {  	[sflag:s14] =	ssyncadd.s32 $0xFFFFCE00  }
0x9c: {  	_ =	swait.ge [sflag:s14], $0x3200  }
0x9d: {  	[sflag:s14] =	ssyncset.done $0x0  }
0x9e: {  	[sflag:s14] =	ssyncadd.s32 $0xFFFFCE00  }
0x9f: {  	_ =	swait.ge [sflag:s14], $0x3200  }
0xa0: {  	[sflag:s14] =	ssyncset.done $0x0  }
0xa1: {  	[sflag:s14] =	ssyncadd.s32 $0xFFFFCE00  }
0xa2: {  	_ =	swait.ge [sflag:s14], $0x3200  }
0xa3: {  	s18 =	sadd.s32 $0x1, s18;
	[sflag:s14] =	ssyncset.done $0x0  }
0xa4: {  	p0 =	sne.s32 s18, s10;
	[sflag:s14] =	ssyncadd.s32 $0xFFFFCE00  }
.Ltmp1:
0xa5: {  	[bflag:$0x0] =	sbarrier.arrive $0xFFFF;
	(pc) =	sbr.rel @p0 .LBB2_1-.Ltmp1, $4  }
0xa6: {  	[hbm:s9], [sflag:s6] =	dma.local [spmem:s11], $0x1400  }
0xa7: {  	_ =	swait.ge [sflag:s12], $0x1400  }
0xa8: {  	[sflag:s12] =	ssyncset.done $0x0  }
0xa9: {  	[sflag:s12] =	ssyncadd.s32 $0xFFFFEC00  }
0xaa: {  	_ =	sfence.sel $0x180000  }
0xab: {  	[bflag:$0x0] =	sbarrier.arrive $0xFFFF  }
0xac: {  	_ =	strace $0x9000004A  }
0xad: {  	s0 =	stileid.u32;
	[bflag:$0x2] =	sbarrier.arrive $0xFFFF  }
0xae: {  	p0 =	sne.s32 s0, $0x0;
	s0 =	rddreg [dreg:$0x2]  }
0xaf: {  	s0 =	sadd.s32 @!p0 $0x100000, s0  }
0xb0: {  	[sflag:s0] =	ssyncadd.tile.s32 @!p0 $0x1;
	_ =	shalt  }
.Lfunc_end2:
_tile_overlayer_lowered:
.L_overlay_start_2:
0xb1: {  	(tag) =	ssettag $0x2  }
0xb2: {  	s0 =	rddreg [dreg:$0x0];
	s2 =	stileid.u32  }
0xb3: {  	s1 =	rddreg [dreg:$0x1];
	p0 =	sne.s32 s2, $0x0  }
0xb4: {  	s3 =	rddreg [dreg:$0x2];
	[bflag:$0x3] =	sbarrier.arrive $0xFFFF;
	s2 =	simm.s32 @!p0 $0x1C07  }
0xb5: {  	[timem:s3], [sflag:s2] =	dma.local @!p0 [hbm:s0], s1  }
0xb6: {  	s0 =	simm.s32 @!p0 $0x7  }
0xb7: {  	_ =	swait.ge @!p0 [sflag:s0], s1  }
0xb8: {  	s1 =	ssub.s32 @!p0 $0x0, s1;
	[sflag:s0] =	ssyncset.done @!p0 $0x0  }
0xb9: {  	[sflag:s0] =	ssyncadd.s32 @!p0 s1  }
0xba: {  	[bflag:$0x3] =	sbarrier.arrive $0xFFFF  }
0xbb: {  	_ =	shalt  }

// kernel: kernel.15.cloned.1.call-start
scs
__scs_entry_jumppad:
0x0: {  	(pc) =	sbr.rel $0x88, $3  }
0x1: {  	(tag) =	ssettag $0x0;
	lr =	simm.s32 $0x1  }
0x2: {  	[smem:$0x3F99] =	sst lr;
	_ =	strace $0xD0000000  }
0x3: {  	_ = 	snop  }
0x4: {  	_ = 	snop  }
0x5: {  	_ = 	snop  }
0x6: {  	_ = 	snop  }
0x7: {  	_ = 	snop  }
__scs_overlays_trampoline_lowered:
0x8: {  	[smem:$0x3FA8] =	sst s0  }
0x9: {  	[smem:$0x3FA9] =	sst s1  }
0xa: {  	[smem:$0x3FAA] =	sst s2  }
0xb: {  	[smem:$0x3FAB] =	sst s3  }
0xc: {  	[smem:$0x3FAC] =	sst s4  }
0xd: {  	[smem:$0x3FAD] =	sst s5  }
0xe: {  	[smem:$0x3FAE] =	sst s6  }
0xf: {  	[smem:$0x3FAF] =	sst s7  }
0x10: {  	[smem:$0x3FB0] =	sst s8  }
0x11: {  	[smem:$0x3FB1] =	sst s9;
	s0 =	simm.s32 @!p0 $0x0  }
0x12: {  	s1 =	sld [smem:$0x3F97];
	s0 =	simm.s32 @p0 $0x1  }
0x13: {  	[smem:$0x3FB2] =	sst s0;
	s0 =	simm.s32 @!p1 $0x0  }
0x14: {  	s2 =	sld [smem:$0x3F96];
	s0 =	simm.s32 @p1 $0x1  }
0x15: {  	[smem:$0x3FB3] =	sst s0;
	s0 =	simm.s32 @!p2 $0x0  }
0x16: {  	s3 =	sld [smem:$0x3FDB];
	s0 =	simm.s32 @p2 $0x1  }
0x17: {  	s4 =	simm.s32 $0x1BF5;
	[smem:$0x3FB5] =	sst s0  }
0x18: {  	s0 =	sld [smem:$0x3F98];
	_ =	swait.ge [sflag:s4], $0x0  }
0x19: {  	s7 =	sld [smem:$0x3F99]  }
0x1a: {  	s8 =	sadd.s32 $0xFFFFE003, lr  }
0x1b: {  	s9 =	sadd.s32 $0xFFFFFEF7, lr;
	s5 =	simm.s32 $0xFFFFFFFF;
	p2 =	slt.u32 s8, $0xFFFFF086  }
0x1c: {  	p1 =	slt.u32 s9, $0xF7A;
	s5 =	simm.s32 @!p2 $0x0  }
0x1d: {  	s5 =	simm.s32 @p1 $0x1;
	p0 =	seq.s32 s7, s2  }
0x1e: {  	s7 =	smul.u32 @!p0 $0xF7A, s2;
	p2 =	seq.s32 @!p0 s5, $0x0  }
0x1f: {  	s9 =	smul.u32 $0xF7A, s1;
	s8 =	simm.s32 @!p0 $0x1BF5;
	p2 =	por !p2, p0  }
0x20: {  	[sflag:s8] =	ssyncset.s32 @!p0 $0xFFFFF086;
	s6 =	sadd.s32 @!p0 s3, s7;
	s7 =	simm.s32 @!p0 $0x108  }
0x21: {  	s3 =	sadd.s32 s3, s9;
	s6 =	sadd.s32 @!p0 $0x88, s6;
	s7 =	simm.s32 @p2 $0x1082  }
0x22: {  	[simem:s7], [sflag:s8] =	dma.local @!p0 [hbm:s6], $0xF7A  }
0x23: {  	s9 =	sor.u32 $0xD0000000, s2;
	s6 =	simm.s32 $0x108;
	_ =	swait.ge @!p0 [sflag:s8], $0x0  }
0x24: {  	s3 =	sadd.s32 $0x88, s3;
	s6 =	simm.s32 @!p1 $0x1082;
	[sflag:s4] =	ssyncset.s32 $0xFFFFF086  }
0x25: {  	[simem:s6], [sflag:s4] =	dma.local [hbm:s3], $0xF7A  }
0x26: {  	[smem:$0x3F99] =	sst s1;
	(tag) =	ssettag s2;
	_ =	strace s9  }
0x27: {  	s1 =	sld [smem:$0x3FA9]  }
0x28: {  	s2 =	sld [smem:$0x3FAA]  }
0x29: {  	s4 =	sld [smem:$0x3FAC]  }
0x2a: {  	p0 =	seq.s32 s5, $0x0;
	s5 =	sld [smem:$0x3FAD]  }
0x2b: {  	s6 =	sld [smem:$0x3FAE]  }
0x2c: {  	s7 =	sld [smem:$0x3FAF]  }
0x2d: {  	s3 =	simm.s32 $0x108;
	s8 =	sld [smem:$0x3FB0]  }
0x2e: {  	s3 =	simm.s32 @!p0 $0x1082;
	s9 =	sld [smem:$0x3FB1]  }
0x2f: {  	lr =	sadd.s32 s0, s3;
	s0 =	sld [smem:$0x3FA8]  }
0x30: {  	s3 =	sld [smem:$0x3FAB]  }
0x31: {  	[smem:$0x3FB4] =	sst s10  }
0x32: {  	s10 =	sld [smem:$0x3FB2];
	_ =	sdelay $0x3  }
0x33: {  	p0 =	seq.s32 s10, $0x1;
	s10 =	sld [smem:$0x3FB4];
	_ =	sdelay $0x3  }
0x34: {  	[smem:$0x3FB4] =	sst s10  }
0x35: {  	s10 =	sld [smem:$0x3FB3];
	_ =	sdelay $0x3  }
0x36: {  	p1 =	seq.s32 s10, $0x1;
	s10 =	sld [smem:$0x3FB4];
	_ =	sdelay $0x3  }
0x37: {  	[smem:$0x3FB4] =	sst s10  }
0x38: {  	s10 =	sld [smem:$0x3FB5]  }
0x39: {  	_ = 	snop;
	(pc) =	sbr.ind lr, $3  }
0x3a: {  	_ = 	snop  }
0x3b: {  	_ = 	snop  }
0x3c: {  	p2 =	seq.s32 s10, $0x1;
	s10 =	sld [smem:$0x3FB4]  }
0x3d: {  	_ =	shalt  }
0x3e: {  	_ =	shalt  }
0x3f: {  	_ =	shalt  }
0x40: {  	_ =	shalt  }
0x41: {  	_ =	shalt  }
0x42: {  	_ =	shalt  }
0x43: {  	_ =	shalt  }
0x44: {  	_ =	shalt  }
0x45: {  	_ =	shalt  }
0x46: {  	_ =	shalt  }
0x47: {  	_ =	shalt  }
0x48: {  	_ =	shalt  }
0x49: {  	_ =	shalt  }
0x4a: {  	_ =	shalt  }
0x4b: {  	_ =	shalt  }
0x4c: {  	_ =	shalt  }
0x4d: {  	_ =	shalt  }
0x4e: {  	_ =	shalt  }
0x4f: {  	_ =	shalt  }
0x50: {  	_ =	shalt  }
0x51: {  	_ =	shalt  }
0x52: {  	_ =	shalt  }
0x53: {  	_ =	shalt  }
0x54: {  	_ =	shalt  }
0x55: {  	_ =	shalt  }
0x56: {  	_ =	shalt  }
0x57: {  	_ =	shalt  }
0x58: {  	_ =	shalt  }
0x59: {  	_ =	shalt  }
0x5a: {  	_ =	shalt  }
0x5b: {  	_ =	shalt  }
0x5c: {  	_ =	shalt  }
0x5d: {  	_ =	shalt  }
0x5e: {  	_ =	shalt  }
0x5f: {  	_ =	shalt  }
0x60: {  	_ =	shalt  }
0x61: {  	_ =	shalt  }
0x62: {  	_ =	shalt  }
0x63: {  	_ =	shalt  }
0x64: {  	_ =	shalt  }
0x65: {  	_ =	shalt  }
0x66: {  	_ =	shalt  }
0x67: {  	_ =	shalt  }
0x68: {  	_ =	shalt  }
0x69: {  	_ =	shalt  }
0x6a: {  	_ =	shalt  }
0x6b: {  	_ =	shalt  }
0x6c: {  	_ =	shalt  }
0x6d: {  	_ =	shalt  }
0x6e: {  	_ =	shalt  }
0x6f: {  	_ =	shalt  }
0x70: {  	_ =	shalt  }
0x71: {  	_ =	shalt  }
0x72: {  	_ =	shalt  }
0x73: {  	_ =	shalt  }
0x74: {  	_ =	shalt  }
0x75: {  	_ =	shalt  }
0x76: {  	_ =	shalt  }
0x77: {  	_ =	shalt  }
0x78: {  	_ =	shalt  }
0x79: {  	_ =	shalt  }
0x7a: {  	_ =	shalt  }
0x7b: {  	_ =	shalt  }
0x7c: {  	_ =	shalt  }
0x7d: {  	_ =	shalt  }
0x7e: {  	_ =	shalt  }
0x7f: {  	_ =	shalt  }
0x80: {  	_ =	shalt  }
0x81: {  	_ =	shalt  }
0x82: {  	_ =	shalt  }
0x83: {  	_ =	shalt  }
0x84: {  	_ =	shalt  }
0x85: {  	_ =	shalt  }
0x86: {  	_ =	shalt  }
0x87: {  	_ =	shalt  }
.Lfunc_end0:
.L_simem_size_0:
called_computation.2_lowered:
.L_overlay_start_0:
0x88: {  	s2 =	sld [smem:$0x3FD9]  }
0x89: {  	s3 =	sld [smem:$0x3FFE];
	_ =	sdelay $0x1  }
0x8a: {  	s1 =	srdreg.scid  }
0x8b: {  	s0 =	sand.u32 $0x1, s1  }
0x8c: {  	s16 =	sshll.u32 s0, $0xA;
	s2 =	sadd.s32 s3, s2  }
0x8d: {  	s2 =	sadd.s32 s2, s16  }
0x8e: {  	[smem:$0x3FC0] =	sst s2  }
0x8f: {  	_ = 	snop  }
0x90: {  	(tm) =	ssettm $0x1  }
0x91: {  	s17 =	sld [smem:$0x3FFB];
	_ =	sdelay $0x3  }
0x92: {  	_ =	strace s17  }
0x93: {  	s2 =	sld [smem:$0x3FFC];
	_ =	sdelay $0x3  }
0x94: {  	_ =	strace s2  }
0x95: {  	s2 =	sld [smem:$0x3FFD];
	_ =	sdelay $0x3  }
0x96: {  	_ =	strace s2  }
0x97: {  	_ =	strace $0x8FFFFFFF  }
0x98: {  	s18 =	sld [smem:$0x3FDB];
	_ =	sdelay $0x1  }
0x99: {  	s19 =	simm.s32 $_scs_section_size  }
0x9a: {  	s4 =	simm.s32 $_size__tile_overlayer_lowered;
	s5 =	simm.s32 $_tile_overlayer_lowered  }
0x9b: {  	s22 =	simm.s32 $0x1BFF;
	s21 =	sshll.u32 s5, $0x1;
	s2 =	sadd.s32 s19, s18  }
0x9c: {  	s6 =	simm.s32 $0x0;
	s20 =	sshll.u32 s4, $0x1;
	s4 =	sadd.s32 s21, s2  }
0x9d: {  	[timem:s6], [sflag:s22] =	dma.local [hbm:s4], s20  }
0x9e: {  	_ =	swait.ge [sflag:s22], s20  }
0x9f: {  	s3 =	ssub.s32 $0x0, s20;
	[sflag:s22] =	ssyncset.done $0x0  }
0xa0: {  	[sflag:s22] =	ssyncadd.s32 s3;
	_ =	sdelay $0x1  }
0xa1: {  	s23 =	simm.s32 $0x1B8B  }
0xa2: {  	_ =	swait.ge [sflag:s23], $0x1  }
0xa3: {  	[sflag:s23] =	ssyncset.done $0x0  }
0xa4: {  	s25 =	simm.s32 $0x1B8E;
	s24 =	sld [smem:$0x3FFE];
	[sflag:s23] =	ssyncadd.s32 $0xFFFFFFFF  }
0xa5: {  	s26 =	simm.s32 $execute0_lowered;
	[smem:$0x3FD2] =	sst s25  }
0xa6: {  	s4 =	sshll.u32 s26, $0x1;
	_ =	strace $0x8000004C;
	[dreg:$0x1] =	wrdreg $0xFFFFFFFF  }
0xa7: {  	s28 =	simm.s32 $_size_execute0_lowered;
	s2 =	sadd.s32 s2, s4;
	[dreg:$0x0] =	wrdreg $0x0  }
0xa8: {  	s4 =	sshll.u32 s28, $0x1;
	[dreg:$0x2] =	wrdreg s2  }
0xa9: {  	[dreg:$0x3] =	wrdreg s4  }
0xaa: {  	[dreg:$0x4] =	wrdreg $0xC0  }
0xab: {  	_ =	task [dreg:s6], $0x5FFFF  }
0xac: {  	[dreg:$0x1] =	wrdreg $0xFFFFFFFF  }
0xad: {  	[dreg:$0x0] =	wrdreg $0x60  }
0xae: {  	[dreg:$0x2] =	wrdreg s24  }
0xaf: {  	[dreg:$0x3] =	wrdreg $0xCB200  }
0xb0: {  	[dreg:$0x4] =	wrdreg $0x9  }
0xb1: {  	_ =	task.clear_ibuf [dreg:s6], $0x5FFFF;
	_ =	strace $0x9000004C  }
0xb2: {  	s29 =	simm.s32 $0x9;
	_ =	strace $0x8000004E  }
0xb3: {  	_ =	swait.ge [sflag:s29], $0x1  }
0xb4: {  	[sflag:s29] =	ssyncadd.s32 $0xFFFFFFFF  }
0xb5: {  	_ =	strace $0x9000004E  }
0xb6: {  	_ =	sfence  }
0xb7: {  	s30 =	sld [smem:$0x0];
	_ =	sdelay $0x2  }
0xb8: {  	s31 =	sshll.u32 s1, $0xD;
	s1 =	sshrl.u32 s1, $0x2  }
0xb9: {  	s3 =	sand.u32 $0x4000, s31;
	s1 =	sadd.s32 s1, s30  }
0xba: {  	s0 =	sor.u32 s3, s0;
	s1 =	sshll.u32 s1, $0x11  }
0xbb: {  	s0 =	sor.u32 s1, s0  }
0xbc: {  	s0 =	sadd.s32 $0x8F2B, s0  }
0xbd: {  	[sflag:s0] =	ssyncadd.remote.s32 $0x1  }
0xbe: {  	_ =	sfence.sel $0xFFFF  }
0xbf: {  	[dreg:$0x0] =	wrdreg $0xFFFFFFFF;
	(pc) =	sbr.abs _section_cstart, $3  }
0xc0: {  	[dreg:$0x1] =	wrdreg $0xFFFFFFFF  }
0xc1: {  	_ =	task.clear_ibuf [dreg:s6], $0x2FFFF;
	_ =	strace $0x9FFFFFFF  }
0xc2: {  	(tm) =	ssettm $0x7FFFFFFF  }
0xc3: {  	_ =	shalt  }
tec
execute0_lowered:
.L_overlay_start_1:
0x0: {  	(tag) =	ssettag $0x1  }
0x1: {  	s0 =	srdreg.scid;
	s5 =	rddreg [dreg:$0x0]  }
0x2: {  	s10 =	stileid.u32;
	s2 =	rddreg [dreg:$0x1]  }
0x3: {  	s3 =	simm.s32 $0x0;
	s12 =	simm.s32 $0x7;
	s13 =	simm.s32 $0x2710  }
0x4: {  	s14 =	simm.s32 $0x6;
	s15 =	simm.s32 $0xC8;
	s16 =	simm.s32 $0x4E20  }
0x5: {  	s17 =	simm.s32 $0x6720;
	s19 =	simm.s32 $0x8020;
	s21 =	simm.s32 $0x9920  }
0x6: {  	s23 =	simm.s32 $0xB220;
	s24 =	simm.s32 $0x1;
	s25 =	simm.s32 $0x2  }
0x7: {  	s28 =	simm.s32 $0x3;
	s29 =	simm.s32 $0x28A0;
	s30 =	simm.s32 $0x4  }
0x8: {  	s31 =	simm.s32 $0x2968;
	s18 =	simm.s32 $0x0;
	s0 =	sand.u32 $0x1, s0  }
0x9: {  	[smem:$0x7FF] =	sst s3;
	s6 =	smul.u32 $0x5000, s10;
	s26 =	sshll.u32 s10, $0x6  }
0xa: {  	s1 =	sshll.u32 s0, $0x4;
	_ =	strace $0x8000004D;
	s0 =	ssub.s32 $0x2, s0  }
0xb: {  	s1 =	sor.u32 s10, s1;
	s7 =	sshrl.u32 s6, $0x3;
	s9 =	sshrl.u32 s0, $0x1  }
0xc: {  	s11 =	sadd.s32 s6, s2;
	s6 =	sor.u32 $0x1C07, s26;
	s4 =	smul.u32 $0x2710, s1  }
0xd: {  	s1 =	smul.u32 $0xA00, s1;
	s7 =	sadd.s32 s7, s5;
	s0 =	ssub.s32 s0, s9  }
0xe: {  	s11 =	sshrl.u32 s11, $0x3;
	s10 =	smax.u32 s0, $0x1;
	s4 =	sshrl.u32 s4, $0x3  }
0xf: {  	s0 =	simm.s32 $0x2A30;
	s1 =	sadd.s32 s1, s5;
	s8 =	sadd.s32 s4, s5  }
0x10: {  	s4 =	sadd.s32 $0x15A00, s5;
	s5 =	sadd.s32 $0x1F800, s7;
	s9 =	sadd.s32 $0x29800, s1  }
0x11: {  	s1 =	simm.s32 $0x5;
	s7 =	sadd.s32 $0x2000, s8;
	s8 =	sadd.s32 $0xBC40, s8  }
.LBB2_1:
0x12: {  	[spmem:s11], [sflag:s6] =	dma.local [hbm:s5], $0xA00  }
0x13: {  	_ =	swait.ge [sflag:s12], $0xA00  }
0x14: {  	[sflag:s12] =	ssyncset.done $0x0  }
0x15: {  	[sflag:s12] =	ssyncadd.s32 $0xFFFFF600  }
0x16: {  	[tilespmem:s3], [sflag:$0x6] =	stream.linear.gather [hbm4b:s7+s3], $0x2710, $0x38;
	[tilespmem:$0x11B20] =	vst v63  }
0x17: {  	_ = 	snop  }
0x18: {  	[tilespmem:s13], [sflag:$0x6] =	stream.linear.gather [hbm4b:s8+s3], $0x2710, $0x38;
	[tilespmem:$0x11B20] =	vst v63  }
0x19: {  	_ =	swait.ge [sflag:s14], $0x2710  }
0x1a: {  	[sflag:s14] =	ssyncset.done $0x0  }
0x1b: {  	[sflag:s14] =	ssyncadd.s32 $0xFFFFD8F0  }
0x1c: {  	_ =	swait.ge [sflag:s14], $0x2710  }
0x1d: {  	[sflag:s14] =	ssyncset.done $0x0  }
0x1e: {  	[sflag:s14] =	ssyncadd.s32 $0xFFFFD8F0  }
0x1f: {  	[bflag:$0x0] =	sbarrier.arrive $0xFFFF  }
0x20: {  	[tilespmem:s16], [sflag:$0x1] =	stream.indirect.gather [hbm4b:s4+s15], $0x20, s3, s15, $0xb8;
	[tilespmem:$0x11B20] =	vst v63  }
0x21: {  	_ = 	snop  }
0x22: {  	[tilespmem:s17], [sflag:$0x2] =	stream.indirect.gather [hbm4b:s4+s15], $0x20, s15, s15, $0xb8;
	[tilespmem:$0x11B20] =	vst v63  }
0x23: {  	s20 =	simm.s32 $0x190  }
0x24: {  	[tilespmem:s19], [sflag:$0x3] =	stream.indirect.gather [hbm4b:s4+s15], $0x20, s20, s15, $0xb8;
	[tilespmem:$0x11B20] =	vst v63  }
0x25: {  	s22 =	simm.s32 $0x258  }
0x26: {  	[tilespmem:s21], [sflag:$0x4] =	stream.indirect.gather [hbm4b:s4+s15], $0x20, s22, s15, $0xb8;
	[tilespmem:$0x11B20] =	vst v63  }
0x27: {  	s26 =	simm.s32 $0x320  }
0x28: {  	[tilespmem:s23], [sflag:$0x5] =	stream.indirect.gather [hbm4b:s4+s15], $0x20, s26, s15, $0xb8;
	[tilespmem:$0x11B20] =	vst v63  }
0x29: {  	_ =	swait.ge [sflag:s24], $0x1900  }
0x2a: {  	[sflag:s24] =	ssyncset.done $0x0  }
0x2b: {  	[sflag:s24] =	ssyncadd.s32 $0xFFFFE700  }
0x2c: {  	[spmem:s2] =	stream.indirect.scatter.add.f32 [tilespmem:s16], [sflag:$0x6], $0x20, s13, s15, $0xb8;
	[tilespmem:$0x11B20] =	vst v63  }
0x2d: {  	_ =	swait.ge [sflag:s25], $0x1900  }
0x2e: {  	[sflag:s25] =	ssyncset.done $0x0  }
0x2f: {  	s22 =	simm.s32 $0x27D8;
	[sflag:s25] =	ssyncadd.s32 $0xFFFFE700  }
0x30: {  	[spmem:s2] =	stream.indirect.scatter.add.f32 [tilespmem:s17], [sflag:$0x6], $0x20, s22, s15, $0xb8;
	[tilespmem:$0x11B20] =	vst v63  }
0x31: {  	_ =	swait.ge [sflag:s28], $0x1900  }
0x32: {  	[sflag:s28] =	ssyncset.done $0x0  }
0x33: {  	[sflag:s28] =	ssyncadd.s32 $0xFFFFE700  }
0x34: {  	[spmem:s2] =	stream.indirect.scatter.add.f32 [tilespmem:s19], [sflag:$0x6], $0x20, s29, s15, $0xb8;
	[tilespmem:$0x11B20] =	vst v63  }
0x35: {  	_ =	swait.ge [sflag:s30], $0x1900  }
0x36: {  	[sflag:s30] =	ssyncset.done $0x0  }
0x37: {  	[sflag:s30] =	ssyncadd.s32 $0xFFFFE700  }
0x38: {  	[spmem:s2] =	stream.indirect.scatter.add.f32 [tilespmem:s21], [sflag:$0x6], $0x20, s31, s15, $0xb8;
	[tilespmem:$0x11B20] =	vst v63  }
0x39: {  	_ =	swait.ge [sflag:s1], $0x1900  }
0x3a: {  	[sflag:s1] =	ssyncset.done $0x0  }
0x3b: {  	[sflag:s1] =	ssyncadd.s32 $0xFFFFE700  }
0x3c: {  	[spmem:s2] =	stream.indirect.scatter.add.f32 [tilespmem:s23], [sflag:$0x6], $0x20, s0, s15, $0xb8;
	[tilespmem:$0x11B20] =	vst v63  }
0x3d: {  	_ =	swait.ge [sflag:s14], $0x1900  }
0x3e: {  	[sflag:s14] =	ssyncset.done $0x0  }
0x3f: {  	[sflag:s14] =	ssyncadd.s32 $0xFFFFE700  }
0x40: {  	_ =	swait.ge [sflag:s14], $0x1900  }
0x41: {  	[sflag:s14] =	ssyncset.done $0x0  }
0x42: {  	[sflag:s14] =	ssyncadd.s32 $0xFFFFE700  }
0x43: {  	_ =	swait.ge [sflag:s14], $0x1900  }
0x44: {  	[sflag:s14] =	ssyncset.done $0x0  }
0x45: {  	[sflag:s14] =	ssyncadd.s32 $0xFFFFE700  }
0x46: {  	_ =	swait.ge [sflag:s14], $0x1900  }
0x47: {  	[sflag:s14] =	ssyncset.done $0x0  }
0x48: {  	[sflag:s14] =	ssyncadd.s32 $0xFFFFE700  }
0x49: {  	_ =	swait.ge [sflag:s14], $0x1900  }
0x4a: {  	[sflag:s14] =	ssyncset.done $0x0  }
0x4b: {  	s26 =	simm.s32 $0x3E8;
	[sflag:s14] =	ssyncadd.s32 $0xFFFFE700  }
0x4c: {  	[tilespmem:s16], [sflag:$0x1] =	stream.indirect.gather [hbm4b:s4+s15], $0x20, s26, s15, $0xb8;
	[tilespmem:$0x11B20] =	vst v63  }
0x4d: {  	s22 =	simm.s32 $0x4B0  }
0x4e: {  	[tilespmem:s17], [sflag:$0x2] =	stream.indirect.gather [hbm4b:s4+s15], $0x20, s22, s15, $0xb8;
	[tilespmem:$0x11B20] =	vst v63  }
0x4f: {  	s26 =	simm.s32 $0x578  }
0x50: {  	[tilespmem:s19], [sflag:$0x3] =	stream.indirect.gather [hbm4b:s4+s15], $0x20, s26, s15, $0xb8;
	[tilespmem:$0x11B20] =	vst v63  }
0x51: {  	s22 =	simm.s32 $0x640  }
0x52: {  	[tilespmem:s21], [sflag:$0x4] =	stream.indirect.gather [hbm4b:s4+s15], $0x20, s22, s15, $0xb8;
	[tilespmem:$0x11B20] =	vst v63  }
0x53: {  	s26 =	simm.s32 $0x708  }
0x54: {  	[tilespmem:s23], [sflag:$0x5] =	stream.indirect.gather [hbm4b:s4+s15], $0x20, s26, s15, $0xb8;
	[tilespmem:$0x11B20] =	vst v63  }
0x55: {  	_ =	swait.ge [sflag:s24], $0x1900  }
0x56: {  	[sflag:s24] =	ssyncset.done $0x0  }
0x57: {  	s22 =	simm.s32 $0x2AF8;
	[sflag:s24] =	ssyncadd.s32 $0xFFFFE700  }
0x58: {  	[spmem:s2] =	stream.indirect.scatter.add.f32 [tilespmem:s16], [sflag:$0x6], $0x20, s22, s15, $0xb8;
	[tilespmem:$0x11B20] =	vst v63  }
0x59: {  	_ =	swait.ge [sflag:s25], $0x1900  }
0x5a: {  	[sflag:s25] =	ssyncset.done $0x0  }
0x5b: {  	s26 =	simm.s32 $0x2BC0;
	[sflag:s25] =	ssyncadd.s32 $0xFFFFE700  }
0x5c: {  	[spmem:s2] =	stream.indirect.scatter.add.f32 [tilespmem:s17], [sflag:$0x6], $0x20, s26, s15, $0xb8;
	[tilespmem:$0x11B20] =	vst v63  }
0x5d: {  	_ =	swait.ge [sflag:s28], $0x1900  }
0x5e: {  	[sflag:s28] =	ssyncset.done $0x0  }
0x5f: {  	s22 =	simm.s32 $0x2C88;
	[sflag:s28] =	ssyncadd.s32 $0xFFFFE700  }
0x60: {  	[spmem:s2] =	stream.indirect.scatter.add.f32 [tilespmem:s19], [sflag:$0x6], $0x20, s22, s15, $0xb8;
	[tilespmem:$0x11B20] =	vst v63  }
0x61: {  	_ =	swait.ge [sflag:s30], $0x1900  }
0x62: {  	[sflag:s30] =	ssyncset.done $0x0  }
0x63: {  	s26 =	simm.s32 $0x2D50;
	[sflag:s30] =	ssyncadd.s32 $0xFFFFE700  }
0x64: {  	[spmem:s2] =	stream.indirect.scatter.add.f32 [tilespmem:s21], [sflag:$0x6], $0x20, s26, s15, $0xb8;
	[tilespmem:$0x11B20] =	vst v63  }
0x65: {  	_ =	swait.ge [sflag:s1], $0x1900  }
0x66: {  	[sflag:s1] =	ssyncset.done $0x0  }
0x67: {  	s20 =	simm.s32 $0xFA0;
	s22 =	simm.s32 $0x2E18;
	[sflag:s1] =	ssyncadd.s32 $0xFFFFE700  }
.LBB2_2:
0x68: {  	[spmem:s2] =	stream.indirect.scatter.add.f32 [tilespmem:s23], [sflag:$0x6], $0x20, s22, s15, $0xb8;
	[tilespmem:$0x11B20] =	vst v63  }
0x69: {  	s22 =	smov.u32 s20  }
0x6a: {  	p0 =	sne.s32 s20, $0x7D00;
	s20 =	sadd.s32 $0xFA0, s20;
	_ =	swait.ge [sflag:s14], $0x1900  }
0x6b: {  	[sflag:s14] =	ssyncset.done $0x0  }
0x6c: {  	[sflag:s14] =	ssyncadd.s32 $0xFFFFE700  }
0x6d: {  	_ =	swait.ge [sflag:s14], $0x1900  }
0x6e: {  	[sflag:s14] =	ssyncset.done $0x0  }
0x6f: {  	[sflag:s14] =	ssyncadd.s32 $0xFFFFE700  }
0x70: {  	_ =	swait.ge [sflag:s14], $0x1900  }
0x71: {  	[sflag:s14] =	ssyncset.done $0x0  }
0x72: {  	[sflag:s14] =	ssyncadd.s32 $0xFFFFE700  }
0x73: {  	_ =	swait.ge [sflag:s14], $0x1900  }
0x74: {  	[sflag:s14] =	ssyncset.done $0x0  }
0x75: {  	[sflag:s14] =	ssyncadd.s32 $0xFFFFE700  }
0x76: {  	_ =	swait.ge [sflag:s14], $0x1900  }
0x77: {  	s22 =	sshra.s32 s22, $0x2;
	[sflag:s14] =	ssyncset.done $0x0  }
0x78: {  	s26 =	sadd.s32 $0x3E8, s22;
	[sflag:s14] =	ssyncadd.s32 $0xFFFFE700  }
0x79: {  	[tilespmem:s16], [sflag:$0x1] =	stream.indirect.gather [hbm4b:s4+s15], $0x20, s26, s15, $0xb8;
	[tilespmem:$0x11B20] =	vst v63  }
0x7a: {  	s26 =	sadd.s32 $0x4B0, s22  }
0x7b: {  	[tilespmem:s17], [sflag:$0x2] =	stream.indirect.gather [hbm4b:s4+s15], $0x20, s26, s15, $0xb8;
	[tilespmem:$0x11B20] =	vst v63  }
0x7c: {  	s26 =	sadd.s32 $0x578, s22  }
0x7d: {  	[tilespmem:s19], [sflag:$0x3] =	stream.indirect.gather [hbm4b:s4+s15], $0x20, s26, s15, $0xb8;
	[tilespmem:$0x11B20] =	vst v63  }
0x7e: {  	s26 =	sadd.s32 $0x640, s22  }
0x7f: {  	[tilespmem:s21], [sflag:$0x4] =	stream.indirect.gather [hbm4b:s4+s15], $0x20, s26, s15, $0xb8;
	[tilespmem:$0x11B20] =	vst v63  }
0x80: {  	s26 =	sadd.s32 $0x708, s22  }
0x81: {  	[tilespmem:s23], [sflag:$0x5] =	stream.indirect.gather [hbm4b:s4+s15], $0x20, s26, s15, $0xb8;
	[tilespmem:$0x11B20] =	vst v63  }
0x82: {  	_ =	swait.ge [sflag:s24], $0x1900  }
0x83: {  	[sflag:s24] =	ssyncset.done $0x0  }
0x84: {  	s26 =	sadd.s32 $0x2AF8, s22;
	[sflag:s24] =	ssyncadd.s32 $0xFFFFE700  }
0x85: {  	[spmem:s2] =	stream.indirect.scatter.add.f32 [tilespmem:s16], [sflag:$0x6], $0x20, s26, s15, $0xb8;
	[tilespmem:$0x11B20] =	vst v63  }
0x86: {  	_ =	swait.ge [sflag:s25], $0x1900  }
0x87: {  	[sflag:s25] =	ssyncset.done $0x0  }
0x88: {  	s26 =	sadd.s32 $0x2BC0, s22;
	[sflag:s25] =	ssyncadd.s32 $0xFFFFE700  }
0x89: {  	[spmem:s2] =	stream.indirect.scatter.add.f32 [tilespmem:s17], [sflag:$0x6], $0x20, s26, s15, $0xb8;
	[tilespmem:$0x11B20] =	vst v63  }
0x8a: {  	_ =	swait.ge [sflag:s28], $0x1900  }
0x8b: {  	[sflag:s28] =	ssyncset.done $0x0  }
0x8c: {  	s26 =	sadd.s32 $0x2C88, s22;
	[sflag:s28] =	ssyncadd.s32 $0xFFFFE700  }
0x8d: {  	[spmem:s2] =	stream.indirect.scatter.add.f32 [tilespmem:s19], [sflag:$0x6], $0x20, s26, s15, $0xb8;
	[tilespmem:$0x11B20] =	vst v63  }
0x8e: {  	_ =	swait.ge [sflag:s30], $0x1900  }
0x8f: {  	[sflag:s30] =	ssyncset.done $0x0  }
.Ltmp0:
0x90: {  	s26 =	sadd.s32 $0x2D50, s22;
	[sflag:s30] =	ssyncadd.s32 $0xFFFFE700;
	(pc) =	sbr.rel @p0 .LBB2_2-.Ltmp0, $4  }
0x91: {  	[spmem:s2] =	stream.indirect.scatter.add.f32 [tilespmem:s21], [sflag:$0x6], $0x20, s26, s15, $0xb8;
	[tilespmem:$0x11B20] =	vst v63  }
0x92: {  	_ =	swait.ge [sflag:s1], $0x1900  }
0x93: {  	[sflag:s1] =	ssyncset.done $0x0  }
0x94: {  	s22 =	sadd.s32 $0x2E18, s22;
	[sflag:s1] =	ssyncadd.s32 $0xFFFFE700  }
0x95: {  	[spmem:s2] =	stream.indirect.scatter.add.f32 [tilespmem:s23], [sflag:$0x6], $0x20, s22, s15, $0xb8;
	[tilespmem:$0x11B20] =	vst v63  }
0x96: {  	_ =	swait.ge [sflag:s14], $0x1900  }
0x97: {  	[sflag:s14] =	ssyncset.done $0x0  }
0x98: {  	[sflag:s14] =	ssyncadd.s32 $0xFFFFE700  }
0x99: {  	_ =	swait.ge [sflag:s14], $0x1900  }
0x9a: {  	[sflag:s14] =	ssyncset.done $0x0  }
0x9b: {  	[sflag:s14] =	ssyncadd.s32 $0xFFFFE700  }
0x9c: {  	_ =	swait.ge [sflag:s14], $0x1900  }
0x9d: {  	[sflag:s14] =	ssyncset.done $0x0  }
0x9e: {  	[sflag:s14] =	ssyncadd.s32 $0xFFFFE700  }
0x9f: {  	_ =	swait.ge [sflag:s14], $0x1900  }
0xa0: {  	[sflag:s14] =	ssyncset.done $0x0  }
0xa1: {  	[sflag:s14] =	ssyncadd.s32 $0xFFFFE700  }
0xa2: {  	_ =	swait.ge [sflag:s14], $0x1900  }
0xa3: {  	s18 =	sadd.s32 $0x1, s18;
	[sflag:s14] =	ssyncset.done $0x0  }
0xa4: {  	p0 =	sne.s32 s18, s10;
	[sflag:s14] =	ssyncadd.s32 $0xFFFFE700  }
.Ltmp1:
0xa5: {  	[bflag:$0x0] =	sbarrier.arrive $0xFFFF;
	(pc) =	sbr.rel @p0 .LBB2_1-.Ltmp1, $4  }
0xa6: {  	[hbm:s9], [sflag:s6] =	dma.local [spmem:s11], $0xA00  }
0xa7: {  	_ =	swait.ge [sflag:s12], $0xA00  }
0xa8: {  	[sflag:s12] =	ssyncset.done $0x0  }
0xa9: {  	[sflag:s12] =	ssyncadd.s32 $0xFFFFF600  }
0xaa: {  	_ =	sfence.sel $0x180000  }
0xab: {  	[bflag:$0x0] =	sbarrier.arrive $0xFFFF  }
0xac: {  	_ =	strace $0x9000004D  }
0xad: {  	s0 =	stileid.u32;
	[bflag:$0x2] =	sbarrier.arrive $0xFFFF  }
0xae: {  	p0 =	sne.s32 s0, $0x0;
	s0 =	rddreg [dreg:$0x2]  }
0xaf: {  	s0 =	sadd.s32 @!p0 $0x100000, s0  }
0xb0: {  	[sflag:s0] =	ssyncadd.tile.s32 @!p0 $0x1;
	_ =	shalt  }
.Lfunc_end2:
_tile_overlayer_lowered:
.L_overlay_start_2:
0xb1: {  	(tag) =	ssettag $0x2  }
0xb2: {  	s0 =	rddreg [dreg:$0x0];
	s2 =	stileid.u32  }
0xb3: {  	s1 =	rddreg [dreg:$0x1];
	p0 =	sne.s32 s2, $0x0  }
0xb4: {  	s3 =	rddreg [dreg:$0x2];
	[bflag:$0x3] =	sbarrier.arrive $0xFFFF;
	s2 =	simm.s32 @!p0 $0x1C07  }
0xb5: {  	[timem:s3], [sflag:s2] =	dma.local @!p0 [hbm:s0], s1  }
0xb6: {  	s0 =	simm.s32 @!p0 $0x7  }
0xb7: {  	_ =	swait.ge @!p0 [sflag:s0], s1  }
0xb8: {  	s1 =	ssub.s32 @!p0 $0x0, s1;
	[sflag:s0] =	ssyncset.done @!p0 $0x0  }
0xb9: {  	[sflag:s0] =	ssyncadd.s32 @!p0 s1  }
0xba: {  	[bflag:$0x3] =	sbarrier.arrive $0xFFFF  }
0xbb: {  	_ =	shalt  }

// kernel: kernel.9.cloned.1.call-start
scs
__scs_entry_jumppad:
0x0: {  	(pc) =	sbr.rel $0x88, $3  }
0x1: {  	(tag) =	ssettag $0x0;
	lr =	simm.s32 $0x1  }
0x2: {  	[smem:$0x3F99] =	sst lr;
	_ =	strace $0xD0000000  }
0x3: {  	_ = 	snop  }
0x4: {  	_ = 	snop  }
0x5: {  	_ = 	snop  }
0x6: {  	_ = 	snop  }
0x7: {  	_ = 	snop  }
__scs_overlays_trampoline_lowered:
0x8: {  	[smem:$0x3FA8] =	sst s0  }
0x9: {  	[smem:$0x3FA9] =	sst s1  }
0xa: {  	[smem:$0x3FAA] =	sst s2  }
0xb: {  	[smem:$0x3FAB] =	sst s3  }
0xc: {  	[smem:$0x3FAC] =	sst s4  }
0xd: {  	[smem:$0x3FAD] =	sst s5  }
0xe: {  	[smem:$0x3FAE] =	sst s6  }
0xf: {  	[smem:$0x3FAF] =	sst s7  }
0x10: {  	[smem:$0x3FB0] =	sst s8  }
0x11: {  	[smem:$0x3FB1] =	sst s9;
	s0 =	simm.s32 @!p0 $0x0  }
0x12: {  	s1 =	sld [smem:$0x3F97];
	s0 =	simm.s32 @p0 $0x1  }
0x13: {  	[smem:$0x3FB2] =	sst s0;
	s0 =	simm.s32 @!p1 $0x0  }
0x14: {  	s2 =	sld [smem:$0x3F96];
	s0 =	simm.s32 @p1 $0x1  }
0x15: {  	[smem:$0x3FB3] =	sst s0;
	s0 =	simm.s32 @!p2 $0x0  }
0x16: {  	s3 =	sld [smem:$0x3FDB];
	s0 =	simm.s32 @p2 $0x1  }
0x17: {  	s4 =	simm.s32 $0x1BF5;
	[smem:$0x3FB5] =	sst s0  }
0x18: {  	s0 =	sld [smem:$0x3F98];
	_ =	swait.ge [sflag:s4], $0x0  }
0x19: {  	s7 =	sld [smem:$0x3F99]  }
0x1a: {  	s8 =	sadd.s32 $0xFFFFE003, lr  }
0x1b: {  	s9 =	sadd.s32 $0xFFFFFEF7, lr;
	s5 =	simm.s32 $0xFFFFFFFF;
	p2 =	slt.u32 s8, $0xFFFFF086  }
0x1c: {  	p1 =	slt.u32 s9, $0xF7A;
	s5 =	simm.s32 @!p2 $0x0  }
0x1d: {  	s5 =	simm.s32 @p1 $0x1;
	p0 =	seq.s32 s7, s2  }
0x1e: {  	s7 =	smul.u32 @!p0 $0xF7A, s2;
	p2 =	seq.s32 @!p0 s5, $0x0  }
0x1f: {  	s9 =	smul.u32 $0xF7A, s1;
	s8 =	simm.s32 @!p0 $0x1BF5;
	p2 =	por !p2, p0  }
0x20: {  	[sflag:s8] =	ssyncset.s32 @!p0 $0xFFFFF086;
	s6 =	sadd.s32 @!p0 s3, s7;
	s7 =	simm.s32 @!p0 $0x108  }
0x21: {  	s3 =	sadd.s32 s3, s9;
	s6 =	sadd.s32 @!p0 $0x88, s6;
	s7 =	simm.s32 @p2 $0x1082  }
0x22: {  	[simem:s7], [sflag:s8] =	dma.local @!p0 [hbm:s6], $0xF7A  }
0x23: {  	s9 =	sor.u32 $0xD0000000, s2;
	s6 =	simm.s32 $0x108;
	_ =	swait.ge @!p0 [sflag:s8], $0x0  }
0x24: {  	s3 =	sadd.s32 $0x88, s3;
	s6 =	simm.s32 @!p1 $0x1082;
	[sflag:s4] =	ssyncset.s32 $0xFFFFF086  }
0x25: {  	[simem:s6], [sflag:s4] =	dma.local [hbm:s3], $0xF7A  }
0x26: {  	[smem:$0x3F99] =	sst s1;
	(tag) =	ssettag s2;
	_ =	strace s9  }
0x27: {  	s1 =	sld [smem:$0x3FA9]  }
0x28: {  	s2 =	sld [smem:$0x3FAA]  }
0x29: {  	s4 =	sld [smem:$0x3FAC]  }
0x2a: {  	p0 =	seq.s32 s5, $0x0;
	s5 =	sld [smem:$0x3FAD]  }
0x2b: {  	s6 =	sld [smem:$0x3FAE]  }
0x2c: {  	s7 =	sld [smem:$0x3FAF]  }
0x2d: {  	s3 =	simm.s32 $0x108;
	s8 =	sld [smem:$0x3FB0]  }
0x2e: {  	s3 =	simm.s32 @!p0 $0x1082;
	s9 =	sld [smem:$0x3FB1]  }
0x2f: {  	lr =	sadd.s32 s0, s3;
	s0 =	sld [smem:$0x3FA8]  }
0x30: {  	s3 =	sld [smem:$0x3FAB]  }
0x31: {  	[smem:$0x3FB4] =	sst s10  }
0x32: {  	s10 =	sld [smem:$0x3FB2];
	_ =	sdelay $0x3  }
0x33: {  	p0 =	seq.s32 s10, $0x1;
	s10 =	sld [smem:$0x3FB4];
	_ =	sdelay $0x3  }
0x34: {  	[smem:$0x3FB4] =	sst s10  }
0x35: {  	s10 =	sld [smem:$0x3FB3];
	_ =	sdelay $0x3  }
0x36: {  	p1 =	seq.s32 s10, $0x1;
	s10 =	sld [smem:$0x3FB4];
	_ =	sdelay $0x3  }
0x37: {  	[smem:$0x3FB4] =	sst s10  }
0x38: {  	s10 =	sld [smem:$0x3FB5]  }
0x39: {  	_ = 	snop;
	(pc) =	sbr.ind lr, $3  }
0x3a: {  	_ = 	snop  }
0x3b: {  	_ = 	snop  }
0x3c: {  	p2 =	seq.s32 s10, $0x1;
	s10 =	sld [smem:$0x3FB4]  }
0x3d: {  	_ =	shalt  }
0x3e: {  	_ =	shalt  }
0x3f: {  	_ =	shalt  }
0x40: {  	_ =	shalt  }
0x41: {  	_ =	shalt  }
0x42: {  	_ =	shalt  }
0x43: {  	_ =	shalt  }
0x44: {  	_ =	shalt  }
0x45: {  	_ =	shalt  }
0x46: {  	_ =	shalt  }
0x47: {  	_ =	shalt  }
0x48: {  	_ =	shalt  }
0x49: {  	_ =	shalt  }
0x4a: {  	_ =	shalt  }
0x4b: {  	_ =	shalt  }
0x4c: {  	_ =	shalt  }
0x4d: {  	_ =	shalt  }
0x4e: {  	_ =	shalt  }
0x4f: {  	_ =	shalt  }
0x50: {  	_ =	shalt  }
0x51: {  	_ =	shalt  }
0x52: {  	_ =	shalt  }
0x53: {  	_ =	shalt  }
0x54: {  	_ =	shalt  }
0x55: {  	_ =	shalt  }
0x56: {  	_ =	shalt  }
0x57: {  	_ =	shalt  }
0x58: {  	_ =	shalt  }
0x59: {  	_ =	shalt  }
0x5a: {  	_ =	shalt  }
0x5b: {  	_ =	shalt  }
0x5c: {  	_ =	shalt  }
0x5d: {  	_ =	shalt  }
0x5e: {  	_ =	shalt  }
0x5f: {  	_ =	shalt  }
0x60: {  	_ =	shalt  }
0x61: {  	_ =	shalt  }
0x62: {  	_ =	shalt  }
0x63: {  	_ =	shalt  }
0x64: {  	_ =	shalt  }
0x65: {  	_ =	shalt  }
0x66: {  	_ =	shalt  }
0x67: {  	_ =	shalt  }
0x68: {  	_ =	shalt  }
0x69: {  	_ =	shalt  }
0x6a: {  	_ =	shalt  }
0x6b: {  	_ =	shalt  }
0x6c: {  	_ =	shalt  }
0x6d: {  	_ =	shalt  }
0x6e: {  	_ =	shalt  }
0x6f: {  	_ =	shalt  }
0x70: {  	_ =	shalt  }
0x71: {  	_ =	shalt  }
0x72: {  	_ =	shalt  }
0x73: {  	_ =	shalt  }
0x74: {  	_ =	shalt  }
0x75: {  	_ =	shalt  }
0x76: {  	_ =	shalt  }
0x77: {  	_ =	shalt  }
0x78: {  	_ =	shalt  }
0x79: {  	_ =	shalt  }
0x7a: {  	_ =	shalt  }
0x7b: {  	_ =	shalt  }
0x7c: {  	_ =	shalt  }
0x7d: {  	_ =	shalt  }
0x7e: {  	_ =	shalt  }
0x7f: {  	_ =	shalt  }
0x80: {  	_ =	shalt  }
0x81: {  	_ =	shalt  }
0x82: {  	_ =	shalt  }
0x83: {  	_ =	shalt  }
0x84: {  	_ =	shalt  }
0x85: {  	_ =	shalt  }
0x86: {  	_ =	shalt  }
0x87: {  	_ =	shalt  }
.Lfunc_end0:
.L_simem_size_0:
called_computation_lowered:
.L_overlay_start_0:
0x88: {  	s2 =	sld [smem:$0x3FD9]  }
0x89: {  	s3 =	sld [smem:$0x3FFE];
	_ =	sdelay $0x1  }
0x8a: {  	s1 =	srdreg.scid  }
0x8b: {  	s0 =	sand.u32 $0x1, s1  }
0x8c: {  	s17 =	sshll.u32 s0, $0xA;
	s2 =	sadd.s32 s3, s2  }
0x8d: {  	s2 =	sadd.s32 s2, s17  }
0x8e: {  	[smem:$0x3FC0] =	sst s2  }
0x8f: {  	_ = 	snop  }
0x90: {  	s2 =	sld [smem:$0x3FD0];
	(tm) =	ssettm $0x1  }
0x91: {  	s18 =	sld [smem:$0x3FFB];
	_ =	sdelay $0x3  }
0x92: {  	_ =	strace s18  }
0x93: {  	s3 =	sld [smem:$0x3FFC];
	_ =	sdelay $0x3  }
0x94: {  	_ =	strace s3  }
0x95: {  	s3 =	sld [smem:$0x3FFD];
	_ =	sdelay $0x3  }
0x96: {  	_ =	strace s3  }
0x97: {  	_ =	strace $0x8FFFFFFF  }
0x98: {  	s19 =	sld [smem:$0x3FDB];
	_ =	sdelay $0x1  }
0x99: {  	s4 =	simm.s32 $_scs_section_size  }
0x9a: {  	s5 =	simm.s32 $_size__tile_overlayer_lowered;
	s6 =	simm.s32 $_tile_overlayer_lowered  }
0x9b: {  	s22 =	simm.s32 $0x1BFF;
	s21 =	sshll.u32 s6, $0x1;
	s3 =	sadd.s32 s4, s19  }
0x9c: {  	s7 =	simm.s32 $0x0;
	s20 =	sshll.u32 s5, $0x1;
	s5 =	sadd.s32 s21, s3  }
0x9d: {  	[timem:s7], [sflag:s22] =	dma.local [hbm:s5], s20  }
0x9e: {  	_ =	swait.ge [sflag:s22], s20  }
0x9f: {  	s4 =	ssub.s32 $0x0, s20;
	[sflag:s22] =	ssyncset.done $0x0  }
0xa0: {  	[sflag:s22] =	ssyncadd.s32 s4;
	_ =	sdelay $0x1  }
0xa1: {  	s23 =	simm.s32 $0x1B8B  }
0xa2: {  	_ =	swait.ge [sflag:s23], $0x1  }
0xa3: {  	[sflag:s23] =	ssyncset.done $0x0  }
0xa4: {  	s25 =	simm.s32 $0x1B8E;
	s24 =	sld [smem:$0x3FFE];
	[sflag:s23] =	ssyncadd.s32 $0xFFFFFFFF  }
0xa5: {  	s26 =	simm.s32 $execute0_lowered;
	[smem:$0x3FD2] =	sst s25  }
0xa6: {  	s5 =	sshll.u32 s26, $0x1;
	_ =	strace $0x80000046;
	[dreg:$0x1] =	wrdreg $0xFFFFFFFF  }
0xa7: {  	s28 =	simm.s32 $_size_execute0_lowered;
	s3 =	sadd.s32 s3, s5;
	[dreg:$0x0] =	wrdreg $0x0  }
0xa8: {  	s5 =	sshll.u32 s28, $0x1;
	[dreg:$0x2] =	wrdreg s3  }
0xa9: {  	[dreg:$0x3] =	wrdreg s5  }
0xaa: {  	[dreg:$0x4] =	wrdreg $0xC0  }
0xab: {  	_ =	task [dreg:s7], $0x5FFFF  }
0xac: {  	[dreg:$0x1] =	wrdreg $0xFFFFFFFF  }
0xad: {  	[dreg:$0x0] =	wrdreg $0x60  }
0xae: {  	[dreg:$0x2] =	wrdreg s24  }
0xaf: {  	[dreg:$0x3] =	wrdreg s2  }
0xb0: {  	[dreg:$0x4] =	wrdreg $0x27D80  }
0xb1: {  	[dreg:$0x5] =	wrdreg $0x9  }
0xb2: {  	_ =	task.clear_ibuf [dreg:s7], $0x6FFFF;
	_ =	strace $0x90000046  }
0xb3: {  	s29 =	simm.s32 $0x9;
	_ =	strace $0x80000048  }
0xb4: {  	_ =	swait.ge [sflag:s29], $0x1  }
0xb5: {  	[sflag:s29] =	ssyncadd.s32 $0xFFFFFFFF  }
0xb6: {  	_ =	strace $0x90000048  }
0xb7: {  	_ =	sfence  }
0xb8: {  	s30 =	sld [smem:$0x0];
	_ =	sdelay $0x2  }
0xb9: {  	s31 =	sshll.u32 s1, $0xD;
	s1 =	sshrl.u32 s1, $0x2  }
0xba: {  	s3 =	sand.u32 $0x4000, s31;
	s1 =	sadd.s32 s1, s30  }
0xbb: {  	s0 =	sor.u32 s3, s0;
	s1 =	sshll.u32 s1, $0x11  }
0xbc: {  	s0 =	sor.u32 s1, s0  }
0xbd: {  	s0 =	sadd.s32 $0x8F2B, s0  }
0xbe: {  	[sflag:s0] =	ssyncadd.remote.s32 $0x1  }
0xbf: {  	_ =	sfence.sel $0xFFFF  }
0xc0: {  	[dreg:$0x0] =	wrdreg $0xFFFFFFFF;
	(pc) =	sbr.abs _section_cstart, $3  }
0xc1: {  	[dreg:$0x1] =	wrdreg $0xFFFFFFFF  }
0xc2: {  	_ =	task.clear_ibuf [dreg:s7], $0x2FFFF;
	_ =	strace $0x9FFFFFFF  }
0xc3: {  	(tm) =	ssettm $0x7FFFFFFF  }
tec
execute0_lowered:
.L_overlay_start_1:
0x0: {  	(tag) =	ssettag $0x1  }
0x1: {  	s7 =	rddreg [dreg:$0x0]  }
0x2: {  	s8 =	rddreg [dreg:$0x1]  }
0x3: {  	s1 =	rddreg [dreg:$0x2]  }
0x4: {  	s0 =	rddreg [dreg:$0x3];
	s3 =	simm.s32 $0x0;
	s4 =	srdreg.scid  }
0x5: {  	s2 =	stileid.u32;
	s14 =	simm.s32 $0x1;
	s15 =	simm.s32 $0x0  }
0x6: {  	[smem:$0x7FF] =	sst s3;
	s5 =	sand.u32 $0x1, s4;
	s6 =	smul.u32 $0x280, s2  }
0x7: {  	s4 =	sadd.s32 $0x16000, s7;
	s31 =	sshll.u32 s2, $0x6;
	s9 =	sshll.u32 s5, $0x4  }
0x8: {  	_ =	strace $0x80000047;
	s5 =	ssub.s32 $0x2, s5;
	s9 =	sor.u32 s2, s9  }
0x9: {  	s10 =	sshrl.u32 s6, $0x3;
	s11 =	sshrl.u32 s5, $0x1;
	s13 =	sadd.s32 s6, s1  }
0xa: {  	s6 =	sor.u32 $0x1C02, s31;
	s12 =	smul.u32 $0x2710, s9;
	s10 =	sadd.s32 s10, s7  }
0xb: {  	s11 =	ssub.s32 s5, s11;
	s9 =	smul.u32 $0x50, s9;
	s5 =	sadd.s32 $0x15A00, s10  }
0xc: {  	s10 =	sshrl.u32 s13, $0x3;
	s13 =	simm.s32 $0xC8;
	s12 =	sshrl.u32 s12, $0x3  }
0xd: {  	s8 =	sadd.s32 s8, s9;
	s9 =	smax.u32 s11, $0x1;
	s7 =	sadd.s32 s7, s12  }
0xe: {  	s11 =	simm.s32 $0x2;
	s12 =	simm.s32 $0x2710;
	s7 =	sadd.s32 $0xBC40, s7  }
.LBB2_1:
0xf: {  	[spmem:s10], [sflag:s6] =	dma.local [hbm:s5], $0x50  }
0x10: {  	_ =	swait.ge [sflag:s11], $0x50  }
0x11: {  	[sflag:s11] =	ssyncset.done $0x0  }
0x12: {  	[sflag:s11] =	ssyncadd.s32 $0xFFFFFFB0  }
0x13: {  	[tilespmem:s12], [sflag:$0x2] =	stream.linear.gather [hbm4b:s4+s3], $0xC8, $0x38;
	[tilespmem:$0x2A58] =	vst v63  }
0x14: {  	_ =	swait.ge [sflag:s11], $0xC8  }
0x15: {  	[sflag:s11] =	ssyncset.done $0x0  }
0x16: {  	[sflag:s11] =	ssyncadd.s32 $0xFFFFFF38  }
0x17: {  	[tilespmem:s3], [sflag:$0x2] =	stream.linear.gather [hbm4b:s7+s3], $0x2710, $0x38;
	[tilespmem:$0x2A58] =	vst v63  }
0x18: {  	_ =	swait.ge [sflag:s11], $0x2710  }
0x19: {  	[sflag:s11] =	ssyncset.done $0x0  }
0x1a: {  	[sflag:s11] =	ssyncadd.s32 $0xFFFFD8F0  }
0x1b: {  	s16 =	simm.s32 $0x0;
	[bflag:$0x0] =	sbarrier.arrive $0xFFFF  }
.LBB2_2:
0x1c: {  	p0 =	sne.s32 s16, $0x9920  }
.Ltmp0:
0x1d: {  	_ = 	snop;
	(pc) =	sbr.rel @p0 .LBB2_2-.Ltmp0, $3  }
0x1e: {  	_ =	sdelay $0x1  }
0x1f: {  	s17 =	sshra.s32 s16, $0x2;
	s16 =	sadd.s32 $0x320, s16  }
0x20: {  	[spmem:s1] =	stream.indirect.scatter.add.f32 [tilespmem:s12], [sflag:$0x1], $0x1, s17, s13, $0xb8;
	[tilespmem:$0x2A58] =	vst v63  }
0x21: {  	_ =	swait.ge [sflag:s14], $0xC8  }
0x22: {  	s16 =	simm.s32 $0x31;
	[sflag:s14] =	ssyncset.done $0x0  }
.LBB2_4:
0x23: {  	p0 =	sne.s32 s16, $0x1;
	s16 =	sadd.s32 $0xFFFFFFFF, s16;
	[sflag:s14] =	ssyncadd.s32 $0xFFFFFF38  }
.Ltmp1:
0x24: {  	(pc) =	sbr.rel @p0 .LBB2_4-.Ltmp1, $3  }
0x25: {  	_ =	sdelay $0x1  }
0x26: {  	_ =	swait.ge [sflag:s14], $0xC8  }
0x27: {  	[sflag:s14] =	ssyncset.done $0x0  }
0x28: {  	s15 =	sadd.s32 $0x1, s15  }
0x29: {  	[sflag:s14] =	ssyncadd.s32 $0xFFFFFF38;
	p0 =	sne.s32 s15, s9  }
.Ltmp2:
0x2a: {  	[bflag:$0x0] =	sbarrier.arrive $0xFFFF;
	(pc) =	sbr.rel @p0 .LBB2_1-.Ltmp2, $4  }
0x2b: {  	[hbm:s8], [sflag:s6] =	dma.local [spmem:s10], $0x50  }
0x2c: {  	_ =	swait.ge [sflag:s11], $0x50  }
0x2d: {  	[sflag:s11] =	ssyncset.done $0x0  }
0x2e: {  	[sflag:s11] =	ssyncadd.s32 $0xFFFFFFB0  }
0x2f: {  	_ =	sfence.sel $0x180000  }
0x30: {  	[bflag:$0x0] =	sbarrier.arrive $0xFFFF  }
0x31: {  	p0 =	sne.s32 s2, $0x0;
	_ =	strace $0x90000047  }
0x32: {  	s0 =	sadd.s32 @!p0 $0x100000, s0;
	[bflag:$0x2] =	sbarrier.arrive $0xFFFF  }
0x33: {  	[sflag:s0] =	ssyncadd.tile.s32 @!p0 $0x1;
	_ =	shalt  }
.Lfunc_end2:
_tile_overlayer_lowered:
.L_overlay_start_2:
0x34: {  	(tag) =	ssettag $0x2  }
0x35: {  	s0 =	rddreg [dreg:$0x0];
	s2 =	stileid.u32  }
0x36: {  	s1 =	rddreg [dreg:$0x1];
	p0 =	sne.s32 s2, $0x0  }
0x37: {  	s3 =	rddreg [dreg:$0x2];
	[bflag:$0x3] =	sbarrier.arrive $0xFFFF;
	s2 =	simm.s32 @!p0 $0x1C02  }
0x38: {  	[timem:s3], [sflag:s2] =	dma.local @!p0 [hbm:s0], s1  }
0x39: {  	s0 =	simm.s32 @!p0 $0x2  }
0x3a: {  	_ =	swait.ge @!p0 [sflag:s0], s1  }
0x3b: {  	s1 =	ssub.s32 @!p0 $0x0, s1;
	[sflag:s0] =	ssyncset.done @!p0 $0x0  }
0x3c: {  	[sflag:s0] =	ssyncadd.s32 @!p0 s1  }
0x3d: {  	[bflag:$0x3] =	sbarrier.arrive $0xFFFF  }
0x3e: {  	_ =	shalt  }

</sc_bundles>
